<compile_context>
chip_gen: v7x
topology: tpu7x:2x2x1
jax: 0.10.2.dev20260603
libtpu: 0.0.44.dev20260713+nightly
codegen_flags: <defaults>
</compile_context>

<pallas_src>
import functools

import jax
import jax.numpy as jnp
import numpy as np
from jax import lax
from jax.experimental import pallas as pl
from jax.experimental.pallas import tpu as pltpu, tpu_sc as plsc

_SPACE_DIMS = (3, 3, 3, 3, 3, 3, 3, 4, 4, 4, 4, 4)
_NF = 12

_G_BITS = (
    (1055457920, 3189265628, 1074860122),
    (1066577697, 1068991349, 3205015614),
    (1063756783, 1066355696, 3208226826),
    (1030450080, 3211137839, 3213595374),
    (1067175042, 1058180311, 1077432243),
    (1040281324, 3215545569, 3196645162),
    (1034994229, 3197520290, 3198960585),
    (1060596884, 1052114086, 1057755324, 1060926555),
    (1057575298, 1044915133, 3214524017, 1065862059),
    (3210872165, 1065936820, 3201218771, 1055883166),
    (1054825069, 3216758099, 1059429594, 3201942455),
    (1054215847, 1081159086, 3200303756, 1061528564),
)
_G = [[float(np.uint32(b).view(np.float32)) for b in row] for row in _G_BITS]

_LOG2E = float(np.float32(1.4426950408889634))
_LN2 = float(np.float32(0.6931471805599453))


def _sexp(x):
    t = jnp.maximum(x * _LOG2E, -20.0)
    u = t * 0.0625
    p = 0.99999998159 + u * (0.69314638 + u * (0.24021809 + u * (
        0.05546755 + u * (0.00953885 + u * (0.00124182 + u * 9.883e-05)))))
    p = p * p
    p = p * p
    p = p * p
    return p * p


def _slog1(w):
    return 9.083787e-08 + w * (0.99999145 + w * (-0.49980116 + w * (
        0.33133401 + w * (-0.23919072 + w * (0.1647835 + w * (
            -0.09231377 + w * (0.03441859 + w * -0.00607488)))))))


@functools.partial(
    pl.kernel,
    mesh=plsc.ScalarSubcoreMesh(axis_name="c", num_cores=1),
    compiler_params=pltpu.CompilerParams(needs_layout_passes=False),
    out_type=[jax.ShapeDtypeStruct((_NF,), jnp.int32),
              jax.ShapeDtypeStruct((1,), jnp.float32)],
    scratch_types=[
        pltpu.SMEM((41,), jnp.float32),
        pltpu.SMEM((_NF,), jnp.int32),
        pltpu.SMEM((1,), jnp.float32),
        pltpu.SemaphoreType.DMA,
    ],
)
def _sc_sample(l_hbm, act_hbm, lp_hbm, l_s, act_s, lp_s, sem):
    pltpu.async_copy(l_hbm, l_s, sem).wait()

    total = jnp.float32(0.0)
    prod = jnp.float32(1.0)
    pexp = jnp.float32(0.0)
    start = 0
    for i, n in enumerate(_SPACE_DIMS):
        vals = [l_s[start + j] for j in range(n)]
        best = vals[0] + np.float32(_G[i][0])
        a = jnp.int32(0)
        m = vals[0]
        for j in range(1, n):
            vj = vals[j] + np.float32(_G[i][j])
            take = vj > best
            best = jnp.where(take, vj, best)
            a = jnp.where(take, jnp.int32(j), a)
            m = jnp.maximum(m, vals[j])
        s = jnp.float32(0.0)
        for j in range(n):
            s = s + _sexp(vals[j] - m)
        chosen = vals[0]
        for j in range(1, n):
            chosen = jnp.where(a == j, vals[j], chosen)
        total = total + (chosen - m)
        prod = prod * s
        for _unused in range(2):
            big = prod >= 2.0
            prod = jnp.where(big, prod * 0.5, prod)
            pexp = jnp.where(big, pexp + _LN2, pexp)
        act_s[i] = a
        start += n

    lp_s[0] = total - (pexp + _slog1(prod - 1.0))
    out1 = pltpu.async_copy(act_s, act_hbm, sem)
    out2 = pltpu.async_copy(lp_s, lp_hbm, sem)
    out1.wait()
    out2.wait()


def kernel(logits):
    actions, lp1 = _sc_sample(logits)
    return actions, lp1.reshape(())

# --- scband reference (transcript-rebuilt; emitter-appended) ---
"""Pipeline reference for scband-policy-5463198400961 (READ-ONLY COPY).

The authoritative reference and input builder live on the scoring server;
editing this copy changes nothing except your own understanding.
"""

import jax, jax.numpy as jnp
import numpy as np

# space_dims derived from the search_space init kwarg (12 fields):
# 4x KERNEL (3 choices), 3x WINDOW (3 choices), 4x FFN_EXP (4 choices), 1x HEAD (4 choices)
SPACE_DIMS = [3, 3, 3, 3, 3, 3, 3, 4, 4, 4, 4, 4]
TOTAL_DIM = sum(SPACE_DIMS)  # 41


def setup_inputs(seed: int = 0) -> dict:
    key = jax.random.key(seed)
    # nn.ParameterList of 0.001 * randn(len(value)) per field, concatenated as in Policy.sample()
    logits = 0.001 * jax.random.normal(key, (TOTAL_DIM,), dtype=jnp.float32)
    return {"logits": logits}


def reference(logits):
    # Faithful translation of Policy.sample():
    #   distribution = MultiCategorical over splits of concatenated logits
    #   actions = distribution.sample(); log_prob = distribution.log_prob(actions)
    key = jax.random.key(42)
    start = 0
    actions = []
    log_probs = []
    for i, n in enumerate(SPACE_DIMS):
        l = logits[start:start + n]
        a = jax.random.categorical(jax.random.fold_in(key, i), l)
        lp = jax.nn.log_softmax(l)[a]
        actions.append(a)
        log_probs.append(lp)
        start += n
    actions = jnp.stack(actions).astype(jnp.int32)
    log_prob = jnp.stack(log_probs, axis=-1).sum(axis=-1)
    return (actions, log_prob)

if __name__ == "__main__":
    import jax
    _d = setup_inputs()
    print(jax.jit(kernel)(*tuple(_d.values())))

</pallas_src>

<mosaic_0001>
#map = affine_map<(d0) -> (0)>
module attributes {stable_mosaic.version = 14 : i64} {
  func.func @_sc_sample(%arg0: i32, %arg1: memref<41xf32, #tpu.memory_space<hbm>>, %arg2: memref<12xi32, #tpu.memory_space<hbm>>, %arg3: memref<1xf32, #tpu.memory_space<hbm>>, %arg4: memref<41xf32, #tpu.memory_space<smem>>, %arg5: memref<12xi32, #tpu.memory_space<smem>>, %arg6: memref<1xf32, #tpu.memory_space<smem>>, %arg7: memref<!tpu.dma_semaphore, #tpu.memory_space<semaphore_mem>>) attributes {dimension_semantics = [#tpu.dimension_semantics<core_parallel>], iteration_bounds = array<i64: 1>, scalar_prefetch = 0 : i64, scratch_operands = 4 : i64, tpu.core_type = #tpu.core_type<sc_scalar_subcore>, window_params = [{transform_indices = #map}, {transform_indices = #map}, {transform_indices = #map}]} {
    tpu.enqueue_dma source(%arg1 : memref<41xf32, #tpu.memory_space<hbm>>) target(%arg4 : memref<41xf32, #tpu.memory_space<smem>>) target_semaphore(%arg7 : memref<!tpu.dma_semaphore, #tpu.memory_space<semaphore_mem>>)
    tpu.wait_dma2 semaphore(%arg7 : memref<!tpu.dma_semaphore, #tpu.memory_space<semaphore_mem>>) src(%arg1 : memref<41xf32, #tpu.memory_space<hbm>>) dst(%arg4 : memref<41xf32, #tpu.memory_space<smem>>)
    %get3A = arith.constant 0 : i32
    %get3A_0 = arith.index_cast %get3A : i32 to index
    %get3A_1 = memref.load %arg4[%get3A_0] : memref<41xf32, #tpu.memory_space<smem>>
    %get3A_2 = arith.constant 1 : i32
    %get3A_3 = arith.index_cast %get3A_2 : i32 to index
    %get3A_4 = memref.load %arg4[%get3A_3] : memref<41xf32, #tpu.memory_space<smem>>
    %get3A_5 = arith.constant 2 : i32
    %get3A_6 = arith.index_cast %get3A_5 : i32 to index
    %get3A_7 = memref.load %arg4[%get3A_6] : memref<41xf32, #tpu.memory_space<smem>>
    %add3A = arith.constant 0.455097198 : f32
    %add3A_8 = arith.addf %get3A_1, %add3A : f32
    %add3A_9 = arith.constant -0.148761213 : f32
    %add3A_10 = arith.addf %get3A_4, %add3A_9 : f32
    %gt3A = arith.cmpf ogt, %add3A_10, %add3A_8 : f32
    %select_n3A = arith.select %gt3A, %add3A_10, %add3A_8 : f32
    %jit3A = arith.constant 1 : i32
    %jit3A_11 = arith.constant 0 : i32
    %select_n3A_12 = arith.select %gt3A, %jit3A, %jit3A_11 : i32
    %max3A = arith.maximumf %get3A_1, %get3A_4 : f32
    %add3A_13 = arith.constant 2.26662302 : f32
    %add3A_14 = arith.addf %get3A_7, %add3A_13 : f32
    %gt3A_15 = arith.cmpf ogt, %add3A_14, %select_n3A : f32
    %select_n3A_16 = arith.select %gt3A_15, %add3A_14, %select_n3A : f32
    %jit3A_17 = arith.constant 2 : i32
    %select_n3A_18 = arith.select %gt3A_15, %jit3A_17, %select_n3A_12 : i32
    %max3A_19 = arith.maximumf %max3A, %get3A_7 : f32
    %sub3A = arith.subf %get3A_1, %max3A_19 : f32
    %mul3A = arith.constant 1.44269502 : f32
    %mul3A_20 = arith.mulf %sub3A, %mul3A : f32
    %max3A_21 = arith.constant -2.000000e+01 : f32
    %max3A_22 = arith.maximumf %mul3A_20, %max3A_21 : f32
    %mul3A_23 = arith.constant 6.250000e-02 : f32
    %mul3A_24 = arith.mulf %max3A_22, %mul3A_23 : f32
    %mul3A_25 = arith.constant 9.883000e-05 : f32
    %mul3A_26 = arith.mulf %mul3A_24, %mul3A_25 : f32
    %add3A_27 = arith.constant 1.241820e-03 : f32
    %add3A_28 = arith.addf %add3A_27, %mul3A_26 : f32
    %mul3A_29 = arith.mulf %mul3A_24, %add3A_28 : f32
    %add3A_30 = arith.constant 0.00953884981 : f32
    %add3A_31 = arith.addf %add3A_30, %mul3A_29 : f32
    %mul3A_32 = arith.mulf %mul3A_24, %add3A_31 : f32
    %add3A_33 = arith.constant 0.0554675497 : f32
    %add3A_34 = arith.addf %add3A_33, %mul3A_32 : f32
    %mul3A_35 = arith.mulf %mul3A_24, %add3A_34 : f32
    %add3A_36 = arith.constant 0.240218088 : f32
    %add3A_37 = arith.addf %add3A_36, %mul3A_35 : f32
    %mul3A_38 = arith.mulf %mul3A_24, %add3A_37 : f32
    %add3A_39 = arith.constant 0.693146407 : f32
    %add3A_40 = arith.addf %add3A_39, %mul3A_38 : f32
    %mul3A_41 = arith.mulf %mul3A_24, %add3A_40 : f32
    %add3A_42 = arith.constant 1.000000e+00 : f32
    %add3A_43 = arith.addf %add3A_42, %mul3A_41 : f32
    %mul3A_44 = arith.mulf %add3A_43, %add3A_43 : f32
    %mul3A_45 = arith.mulf %mul3A_44, %mul3A_44 : f32
    %mul3A_46 = arith.mulf %mul3A_45, %mul3A_45 : f32
    %mul3A_47 = arith.mulf %mul3A_46, %mul3A_46 : f32
    %add3A_48 = arith.constant 0.000000e+00 : f32
    %add3A_49 = arith.addf %add3A_48, %mul3A_47 : f32
    %sub3A_50 = arith.subf %get3A_4, %max3A_19 : f32
    %mul3A_51 = arith.constant 1.44269502 : f32
    %mul3A_52 = arith.mulf %sub3A_50, %mul3A_51 : f32
    %max3A_53 = arith.constant -2.000000e+01 : f32
    %max3A_54 = arith.maximumf %mul3A_52, %max3A_53 : f32
    %mul3A_55 = arith.constant 6.250000e-02 : f32
    %mul3A_56 = arith.mulf %max3A_54, %mul3A_55 : f32
    %mul3A_57 = arith.constant 9.883000e-05 : f32
    %mul3A_58 = arith.mulf %mul3A_56, %mul3A_57 : f32
    %add3A_59 = arith.constant 1.241820e-03 : f32
    %add3A_60 = arith.addf %add3A_59, %mul3A_58 : f32
    %mul3A_61 = arith.mulf %mul3A_56, %add3A_60 : f32
    %add3A_62 = arith.constant 0.00953884981 : f32
    %add3A_63 = arith.addf %add3A_62, %mul3A_61 : f32
    %mul3A_64 = arith.mulf %mul3A_56, %add3A_63 : f32
    %add3A_65 = arith.constant 0.0554675497 : f32
    %add3A_66 = arith.addf %add3A_65, %mul3A_64 : f32
    %mul3A_67 = arith.mulf %mul3A_56, %add3A_66 : f32
    %add3A_68 = arith.constant 0.240218088 : f32
    %add3A_69 = arith.addf %add3A_68, %mul3A_67 : f32
    %mul3A_70 = arith.mulf %mul3A_56, %add3A_69 : f32
    %add3A_71 = arith.constant 0.693146407 : f32
    %add3A_72 = arith.addf %add3A_71, %mul3A_70 : f32
    %mul3A_73 = arith.mulf %mul3A_56, %add3A_72 : f32
    %add3A_74 = arith.constant 1.000000e+00 : f32
    %add3A_75 = arith.addf %add3A_74, %mul3A_73 : f32
    %mul3A_76 = arith.mulf %add3A_75, %add3A_75 : f32
    %mul3A_77 = arith.mulf %mul3A_76, %mul3A_76 : f32
    %mul3A_78 = arith.mulf %mul3A_77, %mul3A_77 : f32
    %mul3A_79 = arith.mulf %mul3A_78, %mul3A_78 : f32
    %add3A_80 = arith.addf %add3A_49, %mul3A_79 : f32
    %sub3A_81 = arith.subf %get3A_7, %max3A_19 : f32
    %mul3A_82 = arith.constant 1.44269502 : f32
    %mul3A_83 = arith.mulf %sub3A_81, %mul3A_82 : f32
    %max3A_84 = arith.constant -2.000000e+01 : f32
    %max3A_85 = arith.maximumf %mul3A_83, %max3A_84 : f32
    %mul3A_86 = arith.constant 6.250000e-02 : f32
    %mul3A_87 = arith.mulf %max3A_85, %mul3A_86 : f32
    %mul3A_88 = arith.constant 9.883000e-05 : f32
    %mul3A_89 = arith.mulf %mul3A_87, %mul3A_88 : f32
    %add3A_90 = arith.constant 1.241820e-03 : f32
    %add3A_91 = arith.addf %add3A_90, %mul3A_89 : f32
    %mul3A_92 = arith.mulf %mul3A_87, %add3A_91 : f32
    %add3A_93 = arith.constant 0.00953884981 : f32
    %add3A_94 = arith.addf %add3A_93, %mul3A_92 : f32
    %mul3A_95 = arith.mulf %mul3A_87, %add3A_94 : f32
    %add3A_96 = arith.constant 0.0554675497 : f32
    %add3A_97 = arith.addf %add3A_96, %mul3A_95 : f32
    %mul3A_98 = arith.mulf %mul3A_87, %add3A_97 : f32
    %add3A_99 = arith.constant 0.240218088 : f32
    %add3A_100 = arith.addf %add3A_99, %mul3A_98 : f32
    %mul3A_101 = arith.mulf %mul3A_87, %add3A_100 : f32
    %add3A_102 = arith.constant 0.693146407 : f32
    %add3A_103 = arith.addf %add3A_102, %mul3A_101 : f32
    %mul3A_104 = arith.mulf %mul3A_87, %add3A_103 : f32
    %add3A_105 = arith.constant 1.000000e+00 : f32
    %add3A_106 = arith.addf %add3A_105, %mul3A_104 : f32
    %mul3A_107 = arith.mulf %add3A_106, %add3A_106 : f32
    %mul3A_108 = arith.mulf %mul3A_107, %mul3A_107 : f32
    %mul3A_109 = arith.mulf %mul3A_108, %mul3A_108 : f32
    %mul3A_110 = arith.mulf %mul3A_109, %mul3A_109 : f32
    %add3A_111 = arith.addf %add3A_80, %mul3A_110 : f32
    %eq3A = arith.constant 1 : i32
    %eq3A_112 = arith.cmpi eq, %select_n3A_18, %eq3A : i32
    %select_n3A_113 = arith.select %eq3A_112, %get3A_4, %get3A_1 : f32
    %eq3A_114 = arith.constant 2 : i32
    %eq3A_115 = arith.cmpi eq, %select_n3A_18, %eq3A_114 : i32
    %select_n3A_116 = arith.select %eq3A_115, %get3A_7, %select_n3A_113 : f32
    %sub3A_117 = arith.subf %select_n3A_116, %max3A_19 : f32
    %add3A_118 = arith.constant 0.000000e+00 : f32
    %add3A_119 = arith.addf %add3A_118, %sub3A_117 : f32
    %mul3A_120 = arith.constant 1.000000e+00 : f32
    %mul3A_121 = arith.mulf %mul3A_120, %add3A_111 : f32
    %ge3A = arith.constant 2.000000e+00 : f32
    %ge3A_122 = arith.cmpf oge, %mul3A_121, %ge3A : f32
    %mul3A_123 = arith.constant 5.000000e-01 : f32
    %mul3A_124 = arith.mulf %mul3A_121, %mul3A_123 : f32
    %select_n3A_125 = arith.select %ge3A_122, %mul3A_124, %mul3A_121 : f32
    %add3A_126 = arith.constant 0.000000e+00 : f32
    %add3A_127 = arith.constant 0.693147182 : f32
    %add3A_128 = arith.addf %add3A_126, %add3A_127 : f32
    %jit3A_129 = arith.constant 0.000000e+00 : f32
    %select_n3A_130 = arith.select %ge3A_122, %add3A_128, %jit3A_129 : f32
    %ge3A_131 = arith.constant 2.000000e+00 : f32
    %ge3A_132 = arith.cmpf oge, %select_n3A_125, %ge3A_131 : f32
    %mul3A_133 = arith.constant 5.000000e-01 : f32
    %mul3A_134 = arith.mulf %select_n3A_125, %mul3A_133 : f32
    %select_n3A_135 = arith.select %ge3A_132, %mul3A_134, %select_n3A_125 : f32
    %add3A_136 = arith.constant 0.693147182 : f32
    %add3A_137 = arith.addf %select_n3A_130, %add3A_136 : f32
    %select_n3A_138 = arith.select %ge3A_132, %add3A_137, %select_n3A_130 : f32
    %swap3A = arith.constant 0 : i32
    %swap3A_139 = arith.index_cast %swap3A : i32 to index
    %swap3A_140 = memref.load %arg5[%swap3A_139] : memref<12xi32, #tpu.memory_space<smem>>
    memref.store %select_n3A_18, %arg5[%swap3A_139] : memref<12xi32, #tpu.memory_space<smem>>
    %get3A_141 = arith.constant 3 : i32
    %get3A_142 = arith.index_cast %get3A_141 : i32 to index
    %get3A_143 = memref.load %arg4[%get3A_142] : memref<41xf32, #tpu.memory_space<smem>>
    %get3A_144 = arith.constant 4 : i32
    %get3A_145 = arith.index_cast %get3A_144 : i32 to index
    %get3A_146 = memref.load %arg4[%get3A_145] : memref<41xf32, #tpu.memory_space<smem>>
    %get3A_147 = arith.constant 5 : i32
    %get3A_148 = arith.index_cast %get3A_147 : i32 to index
    %get3A_149 = memref.load %arg4[%get3A_148] : memref<41xf32, #tpu.memory_space<smem>>
    %add3A_150 = arith.constant 1.14596951 : f32
    %add3A_151 = arith.addf %get3A_143, %add3A_150 : f32
    %add3A_152 = arith.constant 1.43369925 : f32
    %add3A_153 = arith.addf %get3A_146, %add3A_152 : f32
    %gt3A_154 = arith.cmpf ogt, %add3A_153, %add3A_151 : f32
    %select_n3A_155 = arith.select %gt3A_154, %add3A_153, %add3A_151 : f32
    %jit3A_156 = arith.constant 1 : i32
    %jit3A_157 = arith.constant 0 : i32
    %select_n3A_158 = arith.select %gt3A_154, %jit3A_156, %jit3A_157 : i32
    %max3A_159 = arith.maximumf %get3A_143, %get3A_146 : f32
    %add3A_160 = arith.constant -0.533817172 : f32
    %add3A_161 = arith.addf %get3A_149, %add3A_160 : f32
    %gt3A_162 = arith.cmpf ogt, %add3A_161, %select_n3A_155 : f32
    %select_n3A_163 = arith.select %gt3A_162, %add3A_161, %select_n3A_155 : f32
    %jit3A_164 = arith.constant 2 : i32
    %select_n3A_165 = arith.select %gt3A_162, %jit3A_164, %select_n3A_158 : i32
    %max3A_166 = arith.maximumf %max3A_159, %get3A_149 : f32
    %sub3A_167 = arith.subf %get3A_143, %max3A_166 : f32
    %mul3A_168 = arith.constant 1.44269502 : f32
    %mul3A_169 = arith.mulf %sub3A_167, %mul3A_168 : f32
    %max3A_170 = arith.constant -2.000000e+01 : f32
    %max3A_171 = arith.maximumf %mul3A_169, %max3A_170 : f32
    %mul3A_172 = arith.constant 6.250000e-02 : f32
    %mul3A_173 = arith.mulf %max3A_171, %mul3A_172 : f32
    %mul3A_174 = arith.constant 9.883000e-05 : f32
    %mul3A_175 = arith.mulf %mul3A_173, %mul3A_174 : f32
    %add3A_176 = arith.constant 1.241820e-03 : f32
    %add3A_177 = arith.addf %add3A_176, %mul3A_175 : f32
    %mul3A_178 = arith.mulf %mul3A_173, %add3A_177 : f32
    %add3A_179 = arith.constant 0.00953884981 : f32
    %add3A_180 = arith.addf %add3A_179, %mul3A_178 : f32
    %mul3A_181 = arith.mulf %mul3A_173, %add3A_180 : f32
    %add3A_182 = arith.constant 0.0554675497 : f32
    %add3A_183 = arith.addf %add3A_182, %mul3A_181 : f32
    %mul3A_184 = arith.mulf %mul3A_173, %add3A_183 : f32
    %add3A_185 = arith.constant 0.240218088 : f32
    %add3A_186 = arith.addf %add3A_185, %mul3A_184 : f32
    %mul3A_187 = arith.mulf %mul3A_173, %add3A_186 : f32
    %add3A_188 = arith.constant 0.693146407 : f32
    %add3A_189 = arith.addf %add3A_188, %mul3A_187 : f32
    %mul3A_190 = arith.mulf %mul3A_173, %add3A_189 : f32
    %add3A_191 = arith.constant 1.000000e+00 : f32
    %add3A_192 = arith.addf %add3A_191, %mul3A_190 : f32
    %mul3A_193 = arith.mulf %add3A_192, %add3A_192 : f32
    %mul3A_194 = arith.mulf %mul3A_193, %mul3A_193 : f32
    %mul3A_195 = arith.mulf %mul3A_194, %mul3A_194 : f32
    %mul3A_196 = arith.mulf %mul3A_195, %mul3A_195 : f32
    %add3A_197 = arith.constant 0.000000e+00 : f32
    %add3A_198 = arith.addf %add3A_197, %mul3A_196 : f32
    %sub3A_199 = arith.subf %get3A_146, %max3A_166 : f32
    %mul3A_200 = arith.constant 1.44269502 : f32
    %mul3A_201 = arith.mulf %sub3A_199, %mul3A_200 : f32
    %max3A_202 = arith.constant -2.000000e+01 : f32
    %max3A_203 = arith.maximumf %mul3A_201, %max3A_202 : f32
    %mul3A_204 = arith.constant 6.250000e-02 : f32
    %mul3A_205 = arith.mulf %max3A_203, %mul3A_204 : f32
    %mul3A_206 = arith.constant 9.883000e-05 : f32
    %mul3A_207 = arith.mulf %mul3A_205, %mul3A_206 : f32
    %add3A_208 = arith.constant 1.241820e-03 : f32
    %add3A_209 = arith.addf %add3A_208, %mul3A_207 : f32
    %mul3A_210 = arith.mulf %mul3A_205, %add3A_209 : f32
    %add3A_211 = arith.constant 0.00953884981 : f32
    %add3A_212 = arith.addf %add3A_211, %mul3A_210 : f32
    %mul3A_213 = arith.mulf %mul3A_205, %add3A_212 : f32
    %add3A_214 = arith.constant 0.0554675497 : f32
    %add3A_215 = arith.addf %add3A_214, %mul3A_213 : f32
    %mul3A_216 = arith.mulf %mul3A_205, %add3A_215 : f32
    %add3A_217 = arith.constant 0.240218088 : f32
    %add3A_218 = arith.addf %add3A_217, %mul3A_216 : f32
    %mul3A_219 = arith.mulf %mul3A_205, %add3A_218 : f32
    %add3A_220 = arith.constant 0.693146407 : f32
    %add3A_221 = arith.addf %add3A_220, %mul3A_219 : f32
    %mul3A_222 = arith.mulf %mul3A_205, %add3A_221 : f32
    %add3A_223 = arith.constant 1.000000e+00 : f32
    %add3A_224 = arith.addf %add3A_223, %mul3A_222 : f32
    %mul3A_225 = arith.mulf %add3A_224, %add3A_224 : f32
    %mul3A_226 = arith.mulf %mul3A_225, %mul3A_225 : f32
    %mul3A_227 = arith.mulf %mul3A_226, %mul3A_226 : f32
    %mul3A_228 = arith.mulf %mul3A_227, %mul3A_227 : f32
    %add3A_229 = arith.addf %add3A_198, %mul3A_228 : f32
    %sub3A_230 = arith.subf %get3A_149, %max3A_166 : f32
    %mul3A_231 = arith.constant 1.44269502 : f32
    %mul3A_232 = arith.mulf %sub3A_230, %mul3A_231 : f32
    %max3A_233 = arith.constant -2.000000e+01 : f32
    %max3A_234 = arith.maximumf %mul3A_232, %max3A_233 : f32
    %mul3A_235 = arith.constant 6.250000e-02 : f32
    %mul3A_236 = arith.mulf %max3A_234, %mul3A_235 : f32
    %mul3A_237 = arith.constant 9.883000e-05 : f32
    %mul3A_238 = arith.mulf %mul3A_236, %mul3A_237 : f32
    %add3A_239 = arith.constant 1.241820e-03 : f32
    %add3A_240 = arith.addf %add3A_239, %mul3A_238 : f32
    %mul3A_241 = arith.mulf %mul3A_236, %add3A_240 : f32
    %add3A_242 = arith.constant 0.00953884981 : f32
    %add3A_243 = arith.addf %add3A_242, %mul3A_241 : f32
    %mul3A_244 = arith.mulf %mul3A_236, %add3A_243 : f32
    %add3A_245 = arith.constant 0.0554675497 : f32
    %add3A_246 = arith.addf %add3A_245, %mul3A_244 : f32
    %mul3A_247 = arith.mulf %mul3A_236, %add3A_246 : f32
    %add3A_248 = arith.constant 0.240218088 : f32
    %add3A_249 = arith.addf %add3A_248, %mul3A_247 : f32
    %mul3A_250 = arith.mulf %mul3A_236, %add3A_249 : f32
    %add3A_251 = arith.constant 0.693146407 : f32
    %add3A_252 = arith.addf %add3A_251, %mul3A_250 : f32
    %mul3A_253 = arith.mulf %mul3A_236, %add3A_252 : f32
    %add3A_254 = arith.constant 1.000000e+00 : f32
    %add3A_255 = arith.addf %add3A_254, %mul3A_253 : f32
    %mul3A_256 = arith.mulf %add3A_255, %add3A_255 : f32
    %mul3A_257 = arith.mulf %mul3A_256, %mul3A_256 : f32
    %mul3A_258 = arith.mulf %mul3A_257, %mul3A_257 : f32
    %mul3A_259 = arith.mulf %mul3A_258, %mul3A_258 : f32
    %add3A_260 = arith.addf %add3A_229, %mul3A_259 : f32
    %eq3A_261 = arith.constant 1 : i32
    %eq3A_262 = arith.cmpi eq, %select_n3A_165, %eq3A_261 : i32
    %select_n3A_263 = arith.select %eq3A_262, %get3A_146, %get3A_143 : f32
    %eq3A_264 = arith.constant 2 : i32
    %eq3A_265 = arith.cmpi eq, %select_n3A_165, %eq3A_264 : i32
    %select_n3A_266 = arith.select %eq3A_265, %get3A_149, %select_n3A_263 : f32
    %sub3A_267 = arith.subf %select_n3A_266, %max3A_166 : f32
    %add3A_268 = arith.addf %add3A_119, %sub3A_267 : f32
    %mul3A_269 = arith.mulf %select_n3A_135, %add3A_260 : f32
    %ge3A_270 = arith.constant 2.000000e+00 : f32
    %ge3A_271 = arith.cmpf oge, %mul3A_269, %ge3A_270 : f32
    %mul3A_272 = arith.constant 5.000000e-01 : f32
    %mul3A_273 = arith.mulf %mul3A_269, %mul3A_272 : f32
    %select_n3A_274 = arith.select %ge3A_271, %mul3A_273, %mul3A_269 : f32
    %add3A_275 = arith.constant 0.693147182 : f32
    %add3A_276 = arith.addf %select_n3A_138, %add3A_275 : f32
    %select_n3A_277 = arith.select %ge3A_271, %add3A_276, %select_n3A_138 : f32
    %ge3A_278 = arith.constant 2.000000e+00 : f32
    %ge3A_279 = arith.cmpf oge, %select_n3A_274, %ge3A_278 : f32
    %mul3A_280 = arith.constant 5.000000e-01 : f32
    %mul3A_281 = arith.mulf %select_n3A_274, %mul3A_280 : f32
    %select_n3A_282 = arith.select %ge3A_279, %mul3A_281, %select_n3A_274 : f32
    %add3A_283 = arith.constant 0.693147182 : f32
    %add3A_284 = arith.addf %select_n3A_277, %add3A_283 : f32
    %select_n3A_285 = arith.select %ge3A_279, %add3A_284, %select_n3A_277 : f32
    %swap3A_286 = arith.constant 1 : i32
    %swap3A_287 = arith.index_cast %swap3A_286 : i32 to index
    %swap3A_288 = memref.load %arg5[%swap3A_287] : memref<12xi32, #tpu.memory_space<smem>>
    memref.store %select_n3A_165, %arg5[%swap3A_287] : memref<12xi32, #tpu.memory_space<smem>>
    %get3A_289 = arith.constant 6 : i32
    %get3A_290 = arith.index_cast %get3A_289 : i32 to index
    %get3A_291 = memref.load %arg4[%get3A_290] : memref<41xf32, #tpu.memory_space<smem>>
    %get3A_292 = arith.constant 7 : i32
    %get3A_293 = arith.index_cast %get3A_292 : i32 to index
    %get3A_294 = memref.load %arg4[%get3A_293] : memref<41xf32, #tpu.memory_space<smem>>
    %get3A_295 = arith.constant 8 : i32
    %get3A_296 = arith.index_cast %get3A_295 : i32 to index
    %get3A_297 = memref.load %arg4[%get3A_296] : memref<41xf32, #tpu.memory_space<smem>>
    %add3A_298 = arith.constant 0.904845178 : f32
    %add3A_299 = arith.addf %get3A_291, %add3A_298 : f32
    %add3A_300 = arith.constant 1.11950493 : f32
    %add3A_301 = arith.addf %get3A_294, %add3A_300 : f32
    %gt3A_302 = arith.cmpf ogt, %add3A_301, %add3A_299 : f32
    %select_n3A_303 = arith.select %gt3A_302, %add3A_301, %add3A_299 : f32
    %jit3A_304 = arith.constant 1 : i32
    %jit3A_305 = arith.constant 0 : i32
    %select_n3A_306 = arith.select %gt3A_302, %jit3A_304, %jit3A_305 : i32
    %max3A_307 = arith.maximumf %get3A_291, %get3A_294 : f32
    %add3A_308 = arith.constant -0.725220323 : f32
    %add3A_309 = arith.addf %get3A_297, %add3A_308 : f32
    %gt3A_310 = arith.cmpf ogt, %add3A_309, %select_n3A_303 : f32
    %select_n3A_311 = arith.select %gt3A_310, %add3A_309, %select_n3A_303 : f32
    %jit3A_312 = arith.constant 2 : i32
    %select_n3A_313 = arith.select %gt3A_310, %jit3A_312, %select_n3A_306 : i32
    %max3A_314 = arith.maximumf %max3A_307, %get3A_297 : f32
    %sub3A_315 = arith.subf %get3A_291, %max3A_314 : f32
    %mul3A_316 = arith.constant 1.44269502 : f32
    %mul3A_317 = arith.mulf %sub3A_315, %mul3A_316 : f32
    %max3A_318 = arith.constant -2.000000e+01 : f32
    %max3A_319 = arith.maximumf %mul3A_317, %max3A_318 : f32
    %mul3A_320 = arith.constant 6.250000e-02 : f32
    %mul3A_321 = arith.mulf %max3A_319, %mul3A_320 : f32
    %mul3A_322 = arith.constant 9.883000e-05 : f32
    %mul3A_323 = arith.mulf %mul3A_321, %mul3A_322 : f32
    %add3A_324 = arith.constant 1.241820e-03 : f32
    %add3A_325 = arith.addf %add3A_324, %mul3A_323 : f32
    %mul3A_326 = arith.mulf %mul3A_321, %add3A_325 : f32
    %add3A_327 = arith.constant 0.00953884981 : f32
    %add3A_328 = arith.addf %add3A_327, %mul3A_326 : f32
    %mul3A_329 = arith.mulf %mul3A_321, %add3A_328 : f32
    %add3A_330 = arith.constant 0.0554675497 : f32
    %add3A_331 = arith.addf %add3A_330, %mul3A_329 : f32
    %mul3A_332 = arith.mulf %mul3A_321, %add3A_331 : f32
    %add3A_333 = arith.constant 0.240218088 : f32
    %add3A_334 = arith.addf %add3A_333, %mul3A_332 : f32
    %mul3A_335 = arith.mulf %mul3A_321, %add3A_334 : f32
    %add3A_336 = arith.constant 0.693146407 : f32
    %add3A_337 = arith.addf %add3A_336, %mul3A_335 : f32
    %mul3A_338 = arith.mulf %mul3A_321, %add3A_337 : f32
    %add3A_339 = arith.constant 1.000000e+00 : f32
    %add3A_340 = arith.addf %add3A_339, %mul3A_338 : f32
    %mul3A_341 = arith.mulf %add3A_340, %add3A_340 : f32
    %mul3A_342 = arith.mulf %mul3A_341, %mul3A_341 : f32
    %mul3A_343 = arith.mulf %mul3A_342, %mul3A_342 : f32
    %mul3A_344 = arith.mulf %mul3A_343, %mul3A_343 : f32
    %add3A_345 = arith.constant 0.000000e+00 : f32
    %add3A_346 = arith.addf %add3A_345, %mul3A_344 : f32
    %sub3A_347 = arith.subf %get3A_294, %max3A_314 : f32
    %mul3A_348 = arith.constant 1.44269502 : f32
    %mul3A_349 = arith.mulf %sub3A_347, %mul3A_348 : f32
    %max3A_350 = arith.constant -2.000000e+01 : f32
    %max3A_351 = arith.maximumf %mul3A_349, %max3A_350 : f32
    %mul3A_352 = arith.constant 6.250000e-02 : f32
    %mul3A_353 = arith.mulf %max3A_351, %mul3A_352 : f32
    %mul3A_354 = arith.constant 9.883000e-05 : f32
    %mul3A_355 = arith.mulf %mul3A_353, %mul3A_354 : f32
    %add3A_356 = arith.constant 1.241820e-03 : f32
    %add3A_357 = arith.addf %add3A_356, %mul3A_355 : f32
    %mul3A_358 = arith.mulf %mul3A_353, %add3A_357 : f32
    %add3A_359 = arith.constant 0.00953884981 : f32
    %add3A_360 = arith.addf %add3A_359, %mul3A_358 : f32
    %mul3A_361 = arith.mulf %mul3A_353, %add3A_360 : f32
    %add3A_362 = arith.constant 0.0554675497 : f32
    %add3A_363 = arith.addf %add3A_362, %mul3A_361 : f32
    %mul3A_364 = arith.mulf %mul3A_353, %add3A_363 : f32
    %add3A_365 = arith.constant 0.240218088 : f32
    %add3A_366 = arith.addf %add3A_365, %mul3A_364 : f32
    %mul3A_367 = arith.mulf %mul3A_353, %add3A_366 : f32
    %add3A_368 = arith.constant 0.693146407 : f32
    %add3A_369 = arith.addf %add3A_368, %mul3A_367 : f32
    %mul3A_370 = arith.mulf %mul3A_353, %add3A_369 : f32
    %add3A_371 = arith.constant 1.000000e+00 : f32
    %add3A_372 = arith.addf %add3A_371, %mul3A_370 : f32
    %mul3A_373 = arith.mulf %add3A_372, %add3A_372 : f32
    %mul3A_374 = arith.mulf %mul3A_373, %mul3A_373 : f32
    %mul3A_375 = arith.mulf %mul3A_374, %mul3A_374 : f32
    %mul3A_376 = arith.mulf %mul3A_375, %mul3A_375 : f32
    %add3A_377 = arith.addf %add3A_346, %mul3A_376 : f32
    %sub3A_378 = arith.subf %get3A_297, %max3A_314 : f32
    %mul3A_379 = arith.constant 1.44269502 : f32
    %mul3A_380 = arith.mulf %sub3A_378, %mul3A_379 : f32
    %max3A_381 = arith.constant -2.000000e+01 : f32
    %max3A_382 = arith.maximumf %mul3A_380, %max3A_381 : f32
    %mul3A_383 = arith.constant 6.250000e-02 : f32
    %mul3A_384 = arith.mulf %max3A_382, %mul3A_383 : f32
    %mul3A_385 = arith.constant 9.883000e-05 : f32
    %mul3A_386 = arith.mulf %mul3A_384, %mul3A_385 : f32
    %add3A_387 = arith.constant 1.241820e-03 : f32
    %add3A_388 = arith.addf %add3A_387, %mul3A_386 : f32
    %mul3A_389 = arith.mulf %mul3A_384, %add3A_388 : f32
    %add3A_390 = arith.constant 0.00953884981 : f32
    %add3A_391 = arith.addf %add3A_390, %mul3A_389 : f32
    %mul3A_392 = arith.mulf %mul3A_384, %add3A_391 : f32
    %add3A_393 = arith.constant 0.0554675497 : f32
    %add3A_394 = arith.addf %add3A_393, %mul3A_392 : f32
    %mul3A_395 = arith.mulf %mul3A_384, %add3A_394 : f32
    %add3A_396 = arith.constant 0.240218088 : f32
    %add3A_397 = arith.addf %add3A_396, %mul3A_395 : f32
    %mul3A_398 = arith.mulf %mul3A_384, %add3A_397 : f32
    %add3A_399 = arith.constant 0.693146407 : f32
    %add3A_400 = arith.addf %add3A_399, %mul3A_398 : f32
    %mul3A_401 = arith.mulf %mul3A_384, %add3A_400 : f32
    %add3A_402 = arith.constant 1.000000e+00 : f32
    %add3A_403 = arith.addf %add3A_402, %mul3A_401 : f32
    %mul3A_404 = arith.mulf %add3A_403, %add3A_403 : f32
    %mul3A_405 = arith.mulf %mul3A_404, %mul3A_404 : f32
    %mul3A_406 = arith.mulf %mul3A_405, %mul3A_405 : f32
    %mul3A_407 = arith.mulf %mul3A_406, %mul3A_406 : f32
    %add3A_408 = arith.addf %add3A_377, %mul3A_407 : f32
    %eq3A_409 = arith.constant 1 : i32
    %eq3A_410 = arith.cmpi eq, %select_n3A_313, %eq3A_409 : i32
    %select_n3A_411 = arith.select %eq3A_410, %get3A_294, %get3A_291 : f32
    %eq3A_412 = arith.constant 2 : i32
    %eq3A_413 = arith.cmpi eq, %select_n3A_313, %eq3A_412 : i32
    %select_n3A_414 = arith.select %eq3A_413, %get3A_297, %select_n3A_411 : f32
    %sub3A_415 = arith.subf %select_n3A_414, %max3A_314 : f32
    %add3A_416 = arith.addf %add3A_268, %sub3A_415 : f32
    %mul3A_417 = arith.mulf %select_n3A_282, %add3A_408 : f32
    %ge3A_418 = arith.constant 2.000000e+00 : f32
    %ge3A_419 = arith.cmpf oge, %mul3A_417, %ge3A_418 : f32
    %mul3A_420 = arith.constant 5.000000e-01 : f32
    %mul3A_421 = arith.mulf %mul3A_417, %mul3A_420 : f32
    %select_n3A_422 = arith.select %ge3A_419, %mul3A_421, %mul3A_417 : f32
    %add3A_423 = arith.constant 0.693147182 : f32
    %add3A_424 = arith.addf %select_n3A_285, %add3A_423 : f32
    %select_n3A_425 = arith.select %ge3A_419, %add3A_424, %select_n3A_285 : f32
    %ge3A_426 = arith.constant 2.000000e+00 : f32
    %ge3A_427 = arith.cmpf oge, %select_n3A_422, %ge3A_426 : f32
    %mul3A_428 = arith.constant 5.000000e-01 : f32
    %mul3A_429 = arith.mulf %select_n3A_422, %mul3A_428 : f32
    %select_n3A_430 = arith.select %ge3A_427, %mul3A_429, %select_n3A_422 : f32
    %add3A_431 = arith.constant 0.693147182 : f32
    %add3A_432 = arith.addf %select_n3A_425, %add3A_431 : f32
    %select_n3A_433 = arith.select %ge3A_427, %add3A_432, %select_n3A_425 : f32
    %swap3A_434 = arith.constant 2 : i32
    %swap3A_435 = arith.index_cast %swap3A_434 : i32 to index
    %swap3A_436 = memref.load %arg5[%swap3A_435] : memref<12xi32, #tpu.memory_space<smem>>
    memref.store %select_n3A_313, %arg5[%swap3A_435] : memref<12xi32, #tpu.memory_space<smem>>
    %get3A_437 = arith.constant 9 : i32
    %get3A_438 = arith.index_cast %get3A_437 : i32 to index
    %get3A_439 = memref.load %arg4[%get3A_438] : memref<41xf32, #tpu.memory_space<smem>>
    %get3A_440 = arith.constant 10 : i32
    %get3A_441 = arith.index_cast %get3A_440 : i32 to index
    %get3A_442 = memref.load %arg4[%get3A_441] : memref<41xf32, #tpu.memory_space<smem>>
    %get3A_443 = arith.constant 11 : i32
    %get3A_444 = arith.index_cast %get3A_443 : i32 to index
    %get3A_445 = memref.load %arg4[%get3A_444] : memref<41xf32, #tpu.memory_space<smem>>
    %add3A_446 = arith.constant 0.0574756861 : f32
    %add3A_447 = arith.addf %get3A_439, %add3A_446 : f32
    %add3A_448 = arith.constant -0.898730218 : f32
    %add3A_449 = arith.addf %get3A_442, %add3A_448 : f32
    %gt3A_450 = arith.cmpf ogt, %add3A_449, %add3A_447 : f32
    %select_n3A_451 = arith.select %gt3A_450, %add3A_449, %add3A_447 : f32
    %jit3A_452 = arith.constant 1 : i32
    %jit3A_453 = arith.constant 0 : i32
    %select_n3A_454 = arith.select %gt3A_450, %jit3A_452, %jit3A_453 : i32
    %max3A_455 = arith.maximumf %get3A_439, %get3A_442 : f32
    %add3A_456 = arith.constant -1.09042144 : f32
    %add3A_457 = arith.addf %get3A_445, %add3A_456 : f32
    %gt3A_458 = arith.cmpf ogt, %add3A_457, %select_n3A_451 : f32
    %select_n3A_459 = arith.select %gt3A_458, %add3A_457, %select_n3A_451 : f32
    %jit3A_460 = arith.constant 2 : i32
    %select_n3A_461 = arith.select %gt3A_458, %jit3A_460, %select_n3A_454 : i32
    %max3A_462 = arith.maximumf %max3A_455, %get3A_445 : f32
    %sub3A_463 = arith.subf %get3A_439, %max3A_462 : f32
    %mul3A_464 = arith.constant 1.44269502 : f32
    %mul3A_465 = arith.mulf %sub3A_463, %mul3A_464 : f32
    %max3A_466 = arith.constant -2.000000e+01 : f32
    %max3A_467 = arith.maximumf %mul3A_465, %max3A_466 : f32
    %mul3A_468 = arith.constant 6.250000e-02 : f32
    %mul3A_469 = arith.mulf %max3A_467, %mul3A_468 : f32
    %mul3A_470 = arith.constant 9.883000e-05 : f32
    %mul3A_471 = arith.mulf %mul3A_469, %mul3A_470 : f32
    %add3A_472 = arith.constant 1.241820e-03 : f32
    %add3A_473 = arith.addf %add3A_472, %mul3A_471 : f32
    %mul3A_474 = arith.mulf %mul3A_469, %add3A_473 : f32
    %add3A_475 = arith.constant 0.00953884981 : f32
    %add3A_476 = arith.addf %add3A_475, %mul3A_474 : f32
    %mul3A_477 = arith.mulf %mul3A_469, %add3A_476 : f32
    %add3A_478 = arith.constant 0.0554675497 : f32
    %add3A_479 = arith.addf %add3A_478, %mul3A_477 : f32
    %mul3A_480 = arith.mulf %mul3A_469, %add3A_479 : f32
    %add3A_481 = arith.constant 0.240218088 : f32
    %add3A_482 = arith.addf %add3A_481, %mul3A_480 : f32
    %mul3A_483 = arith.mulf %mul3A_469, %add3A_482 : f32
    %add3A_484 = arith.constant 0.693146407 : f32
    %add3A_485 = arith.addf %add3A_484, %mul3A_483 : f32
    %mul3A_486 = arith.mulf %mul3A_469, %add3A_485 : f32
    %add3A_487 = arith.constant 1.000000e+00 : f32
    %add3A_488 = arith.addf %add3A_487, %mul3A_486 : f32
    %mul3A_489 = arith.mulf %add3A_488, %add3A_488 : f32
    %mul3A_490 = arith.mulf %mul3A_489, %mul3A_489 : f32
    %mul3A_491 = arith.mulf %mul3A_490, %mul3A_490 : f32
    %mul3A_492 = arith.mulf %mul3A_491, %mul3A_491 : f32
    %add3A_493 = arith.constant 0.000000e+00 : f32
    %add3A_494 = arith.addf %add3A_493, %mul3A_492 : f32
    %sub3A_495 = arith.subf %get3A_442, %max3A_462 : f32
    %mul3A_496 = arith.constant 1.44269502 : f32
    %mul3A_497 = arith.mulf %sub3A_495, %mul3A_496 : f32
    %max3A_498 = arith.constant -2.000000e+01 : f32
    %max3A_499 = arith.maximumf %mul3A_497, %max3A_498 : f32
    %mul3A_500 = arith.constant 6.250000e-02 : f32
    %mul3A_501 = arith.mulf %max3A_499, %mul3A_500 : f32
    %mul3A_502 = arith.constant 9.883000e-05 : f32
    %mul3A_503 = arith.mulf %mul3A_501, %mul3A_502 : f32
    %add3A_504 = arith.constant 1.241820e-03 : f32
    %add3A_505 = arith.addf %add3A_504, %mul3A_503 : f32
    %mul3A_506 = arith.mulf %mul3A_501, %add3A_505 : f32
    %add3A_507 = arith.constant 0.00953884981 : f32
    %add3A_508 = arith.addf %add3A_507, %mul3A_506 : f32
    %mul3A_509 = arith.mulf %mul3A_501, %add3A_508 : f32
    %add3A_510 = arith.constant 0.0554675497 : f32
    %add3A_511 = arith.addf %add3A_510, %mul3A_509 : f32
    %mul3A_512 = arith.mulf %mul3A_501, %add3A_511 : f32
    %add3A_513 = arith.constant 0.240218088 : f32
    %add3A_514 = arith.addf %add3A_513, %mul3A_512 : f32
    %mul3A_515 = arith.mulf %mul3A_501, %add3A_514 : f32
    %add3A_516 = arith.constant 0.693146407 : f32
    %add3A_517 = arith.addf %add3A_516, %mul3A_515 : f32
    %mul3A_518 = arith.mulf %mul3A_501, %add3A_517 : f32
    %add3A_519 = arith.constant 1.000000e+00 : f32
    %add3A_520 = arith.addf %add3A_519, %mul3A_518 : f32
    %mul3A_521 = arith.mulf %add3A_520, %add3A_520 : f32
    %mul3A_522 = arith.mulf %mul3A_521, %mul3A_521 : f32
    %mul3A_523 = arith.mulf %mul3A_522, %mul3A_522 : f32
    %mul3A_524 = arith.mulf %mul3A_523, %mul3A_523 : f32
    %add3A_525 = arith.addf %add3A_494, %mul3A_524 : f32
    %sub3A_526 = arith.subf %get3A_445, %max3A_462 : f32
    %mul3A_527 = arith.constant 1.44269502 : f32
    %mul3A_528 = arith.mulf %sub3A_526, %mul3A_527 : f32
    %max3A_529 = arith.constant -2.000000e+01 : f32
    %max3A_530 = arith.maximumf %mul3A_528, %max3A_529 : f32
    %mul3A_531 = arith.constant 6.250000e-02 : f32
    %mul3A_532 = arith.mulf %max3A_530, %mul3A_531 : f32
    %mul3A_533 = arith.constant 9.883000e-05 : f32
    %mul3A_534 = arith.mulf %mul3A_532, %mul3A_533 : f32
    %add3A_535 = arith.constant 1.241820e-03 : f32
    %add3A_536 = arith.addf %add3A_535, %mul3A_534 : f32
    %mul3A_537 = arith.mulf %mul3A_532, %add3A_536 : f32
    %add3A_538 = arith.constant 0.00953884981 : f32
    %add3A_539 = arith.addf %add3A_538, %mul3A_537 : f32
    %mul3A_540 = arith.mulf %mul3A_532, %add3A_539 : f32
    %add3A_541 = arith.constant 0.0554675497 : f32
    %add3A_542 = arith.addf %add3A_541, %mul3A_540 : f32
    %mul3A_543 = arith.mulf %mul3A_532, %add3A_542 : f32
    %add3A_544 = arith.constant 0.240218088 : f32
    %add3A_545 = arith.addf %add3A_544, %mul3A_543 : f32
    %mul3A_546 = arith.mulf %mul3A_532, %add3A_545 : f32
    %add3A_547 = arith.constant 0.693146407 : f32
    %add3A_548 = arith.addf %add3A_547, %mul3A_546 : f32
    %mul3A_549 = arith.mulf %mul3A_532, %add3A_548 : f32
    %add3A_550 = arith.constant 1.000000e+00 : f32
    %add3A_551 = arith.addf %add3A_550, %mul3A_549 : f32
    %mul3A_552 = arith.mulf %add3A_551, %add3A_551 : f32
    %mul3A_553 = arith.mulf %mul3A_552, %mul3A_552 : f32
    %mul3A_554 = arith.mulf %mul3A_553, %mul3A_553 : f32
    %mul3A_555 = arith.mulf %mul3A_554, %mul3A_554 : f32
    %add3A_556 = arith.addf %add3A_525, %mul3A_555 : f32
    %eq3A_557 = arith.constant 1 : i32
    %eq3A_558 = arith.cmpi eq, %select_n3A_461, %eq3A_557 : i32
    %select_n3A_559 = arith.select %eq3A_558, %get3A_442, %get3A_439 : f32
    %eq3A_560 = arith.constant 2 : i32
    %eq3A_561 = arith.cmpi eq, %select_n3A_461, %eq3A_560 : i32
    %select_n3A_562 = arith.select %eq3A_561, %get3A_445, %select_n3A_559 : f32
    %sub3A_563 = arith.subf %select_n3A_562, %max3A_462 : f32
    %add3A_564 = arith.addf %add3A_416, %sub3A_563 : f32
    %mul3A_565 = arith.mulf %select_n3A_430, %add3A_556 : f32
    %ge3A_566 = arith.constant 2.000000e+00 : f32
    %ge3A_567 = arith.cmpf oge, %mul3A_565, %ge3A_566 : f32
    %mul3A_568 = arith.constant 5.000000e-01 : f32
    %mul3A_569 = arith.mulf %mul3A_565, %mul3A_568 : f32
    %select_n3A_570 = arith.select %ge3A_567, %mul3A_569, %mul3A_565 : f32
    %add3A_571 = arith.constant 0.693147182 : f32
    %add3A_572 = arith.addf %select_n3A_433, %add3A_571 : f32
    %select_n3A_573 = arith.select %ge3A_567, %add3A_572, %select_n3A_433 : f32
    %ge3A_574 = arith.constant 2.000000e+00 : f32
    %ge3A_575 = arith.cmpf oge, %select_n3A_570, %ge3A_574 : f32
    %mul3A_576 = arith.constant 5.000000e-01 : f32
    %mul3A_577 = arith.mulf %select_n3A_570, %mul3A_576 : f32
    %select_n3A_578 = arith.select %ge3A_575, %mul3A_577, %select_n3A_570 : f32
    %add3A_579 = arith.constant 0.693147182 : f32
    %add3A_580 = arith.addf %select_n3A_573, %add3A_579 : f32
    %select_n3A_581 = arith.select %ge3A_575, %add3A_580, %select_n3A_573 : f32
    %swap3A_582 = arith.constant 3 : i32
    %swap3A_583 = arith.index_cast %swap3A_582 : i32 to index
    %swap3A_584 = memref.load %arg5[%swap3A_583] : memref<12xi32, #tpu.memory_space<smem>>
    memref.store %select_n3A_461, %arg5[%swap3A_583] : memref<12xi32, #tpu.memory_space<smem>>
    %get3A_585 = arith.constant 12 : i32
    %get3A_586 = arith.index_cast %get3A_585 : i32 to index
    %get3A_587 = memref.load %arg4[%get3A_586] : memref<41xf32, #tpu.memory_space<smem>>
    %get3A_588 = arith.constant 13 : i32
    %get3A_589 = arith.index_cast %get3A_588 : i32 to index
    %get3A_590 = memref.load %arg4[%get3A_589] : memref<41xf32, #tpu.memory_space<smem>>
    %get3A_591 = arith.constant 14 : i32
    %get3A_592 = arith.index_cast %get3A_591 : i32 to index
    %get3A_593 = memref.load %arg4[%get3A_592] : memref<41xf32, #tpu.memory_space<smem>>
    %add3A_594 = arith.constant 1.21717858 : f32
    %add3A_595 = arith.addf %get3A_587, %add3A_594 : f32
    %add3A_596 = arith.constant 0.572461545 : f32
    %add3A_597 = arith.addf %get3A_590, %add3A_596 : f32
    %gt3A_598 = arith.cmpf ogt, %add3A_597, %add3A_595 : f32
    %select_n3A_599 = arith.select %gt3A_598, %add3A_597, %add3A_595 : f32
    %jit3A_600 = arith.constant 1 : i32
    %jit3A_601 = arith.constant 0 : i32
    %select_n3A_602 = arith.select %gt3A_598, %jit3A_600, %jit3A_601 : i32
    %max3A_603 = arith.maximumf %get3A_587, %get3A_590 : f32
    %add3A_604 = arith.constant 2.87986445 : f32
    %add3A_605 = arith.addf %get3A_593, %add3A_604 : f32
    %gt3A_606 = arith.cmpf ogt, %add3A_605, %select_n3A_599 : f32
    %select_n3A_607 = arith.select %gt3A_606, %add3A_605, %select_n3A_599 : f32
    %jit3A_608 = arith.constant 2 : i32
    %select_n3A_609 = arith.select %gt3A_606, %jit3A_608, %select_n3A_602 : i32
    %max3A_610 = arith.maximumf %max3A_603, %get3A_593 : f32
    %sub3A_611 = arith.subf %get3A_587, %max3A_610 : f32
    %mul3A_612 = arith.constant 1.44269502 : f32
    %mul3A_613 = arith.mulf %sub3A_611, %mul3A_612 : f32
    %max3A_614 = arith.constant -2.000000e+01 : f32
    %max3A_615 = arith.maximumf %mul3A_613, %max3A_614 : f32
    %mul3A_616 = arith.constant 6.250000e-02 : f32
    %mul3A_617 = arith.mulf %max3A_615, %mul3A_616 : f32
    %mul3A_618 = arith.constant 9.883000e-05 : f32
    %mul3A_619 = arith.mulf %mul3A_617, %mul3A_618 : f32
    %add3A_620 = arith.constant 1.241820e-03 : f32
    %add3A_621 = arith.addf %add3A_620, %mul3A_619 : f32
    %mul3A_622 = arith.mulf %mul3A_617, %add3A_621 : f32
    %add3A_623 = arith.constant 0.00953884981 : f32
    %add3A_624 = arith.addf %add3A_623, %mul3A_622 : f32
    %mul3A_625 = arith.mulf %mul3A_617, %add3A_624 : f32
    %add3A_626 = arith.constant 0.0554675497 : f32
    %add3A_627 = arith.addf %add3A_626, %mul3A_625 : f32
    %mul3A_628 = arith.mulf %mul3A_617, %add3A_627 : f32
    %add3A_629 = arith.constant 0.240218088 : f32
    %add3A_630 = arith.addf %add3A_629, %mul3A_628 : f32
    %mul3A_631 = arith.mulf %mul3A_617, %add3A_630 : f32
    %add3A_632 = arith.constant 0.693146407 : f32
    %add3A_633 = arith.addf %add3A_632, %mul3A_631 : f32
    %mul3A_634 = arith.mulf %mul3A_617, %add3A_633 : f32
    %add3A_635 = arith.constant 1.000000e+00 : f32
    %add3A_636 = arith.addf %add3A_635, %mul3A_634 : f32
    %mul3A_637 = arith.mulf %add3A_636, %add3A_636 : f32
    %mul3A_638 = arith.mulf %mul3A_637, %mul3A_637 : f32
    %mul3A_639 = arith.mulf %mul3A_638, %mul3A_638 : f32
    %mul3A_640 = arith.mulf %mul3A_639, %mul3A_639 : f32
    %add3A_641 = arith.constant 0.000000e+00 : f32
    %add3A_642 = arith.addf %add3A_641, %mul3A_640 : f32
    %sub3A_643 = arith.subf %get3A_590, %max3A_610 : f32
    %mul3A_644 = arith.constant 1.44269502 : f32
    %mul3A_645 = arith.mulf %sub3A_643, %mul3A_644 : f32
    %max3A_646 = arith.constant -2.000000e+01 : f32
    %max3A_647 = arith.maximumf %mul3A_645, %max3A_646 : f32
    %mul3A_648 = arith.constant 6.250000e-02 : f32
    %mul3A_649 = arith.mulf %max3A_647, %mul3A_648 : f32
    %mul3A_650 = arith.constant 9.883000e-05 : f32
    %mul3A_651 = arith.mulf %mul3A_649, %mul3A_650 : f32
    %add3A_652 = arith.constant 1.241820e-03 : f32
    %add3A_653 = arith.addf %add3A_652, %mul3A_651 : f32
    %mul3A_654 = arith.mulf %mul3A_649, %add3A_653 : f32
    %add3A_655 = arith.constant 0.00953884981 : f32
    %add3A_656 = arith.addf %add3A_655, %mul3A_654 : f32
    %mul3A_657 = arith.mulf %mul3A_649, %add3A_656 : f32
    %add3A_658 = arith.constant 0.0554675497 : f32
    %add3A_659 = arith.addf %add3A_658, %mul3A_657 : f32
    %mul3A_660 = arith.mulf %mul3A_649, %add3A_659 : f32
    %add3A_661 = arith.constant 0.240218088 : f32
    %add3A_662 = arith.addf %add3A_661, %mul3A_660 : f32
    %mul3A_663 = arith.mulf %mul3A_649, %add3A_662 : f32
    %add3A_664 = arith.constant 0.693146407 : f32
    %add3A_665 = arith.addf %add3A_664, %mul3A_663 : f32
    %mul3A_666 = arith.mulf %mul3A_649, %add3A_665 : f32
    %add3A_667 = arith.constant 1.000000e+00 : f32
    %add3A_668 = arith.addf %add3A_667, %mul3A_666 : f32
    %mul3A_669 = arith.mulf %add3A_668, %add3A_668 : f32
    %mul3A_670 = arith.mulf %mul3A_669, %mul3A_669 : f32
    %mul3A_671 = arith.mulf %mul3A_670, %mul3A_670 : f32
    %mul3A_672 = arith.mulf %mul3A_671, %mul3A_671 : f32
    %add3A_673 = arith.addf %add3A_642, %mul3A_672 : f32
    %sub3A_674 = arith.subf %get3A_593, %max3A_610 : f32
    %mul3A_675 = arith.constant 1.44269502 : f32
    %mul3A_676 = arith.mulf %sub3A_674, %mul3A_675 : f32
    %max3A_677 = arith.constant -2.000000e+01 : f32
    %max3A_678 = arith.maximumf %mul3A_676, %max3A_677 : f32
    %mul3A_679 = arith.constant 6.250000e-02 : f32
    %mul3A_680 = arith.mulf %max3A_678, %mul3A_679 : f32
    %mul3A_681 = arith.constant 9.883000e-05 : f32
    %mul3A_682 = arith.mulf %mul3A_680, %mul3A_681 : f32
    %add3A_683 = arith.constant 1.241820e-03 : f32
    %add3A_684 = arith.addf %add3A_683, %mul3A_682 : f32
    %mul3A_685 = arith.mulf %mul3A_680, %add3A_684 : f32
    %add3A_686 = arith.constant 0.00953884981 : f32
    %add3A_687 = arith.addf %add3A_686, %mul3A_685 : f32
    %mul3A_688 = arith.mulf %mul3A_680, %add3A_687 : f32
    %add3A_689 = arith.constant 0.0554675497 : f32
    %add3A_690 = arith.addf %add3A_689, %mul3A_688 : f32
    %mul3A_691 = arith.mulf %mul3A_680, %add3A_690 : f32
    %add3A_692 = arith.constant 0.240218088 : f32
    %add3A_693 = arith.addf %add3A_692, %mul3A_691 : f32
    %mul3A_694 = arith.mulf %mul3A_680, %add3A_693 : f32
    %add3A_695 = arith.constant 0.693146407 : f32
    %add3A_696 = arith.addf %add3A_695, %mul3A_694 : f32
    %mul3A_697 = arith.mulf %mul3A_680, %add3A_696 : f32
    %add3A_698 = arith.constant 1.000000e+00 : f32
    %add3A_699 = arith.addf %add3A_698, %mul3A_697 : f32
    %mul3A_700 = arith.mulf %add3A_699, %add3A_699 : f32
    %mul3A_701 = arith.mulf %mul3A_700, %mul3A_700 : f32
    %mul3A_702 = arith.mulf %mul3A_701, %mul3A_701 : f32
    %mul3A_703 = arith.mulf %mul3A_702, %mul3A_702 : f32
    %add3A_704 = arith.addf %add3A_673, %mul3A_703 : f32
    %eq3A_705 = arith.constant 1 : i32
    %eq3A_706 = arith.cmpi eq, %select_n3A_609, %eq3A_705 : i32
    %select_n3A_707 = arith.select %eq3A_706, %get3A_590, %get3A_587 : f32
    %eq3A_708 = arith.constant 2 : i32
    %eq3A_709 = arith.cmpi eq, %select_n3A_609, %eq3A_708 : i32
    %select_n3A_710 = arith.select %eq3A_709, %get3A_593, %select_n3A_707 : f32
    %sub3A_711 = arith.subf %select_n3A_710, %max3A_610 : f32
    %add3A_712 = arith.addf %add3A_564, %sub3A_711 : f32
    %mul3A_713 = arith.mulf %select_n3A_578, %add3A_704 : f32
    %ge3A_714 = arith.constant 2.000000e+00 : f32
    %ge3A_715 = arith.cmpf oge, %mul3A_713, %ge3A_714 : f32
    %mul3A_716 = arith.constant 5.000000e-01 : f32
    %mul3A_717 = arith.mulf %mul3A_713, %mul3A_716 : f32
    %select_n3A_718 = arith.select %ge3A_715, %mul3A_717, %mul3A_713 : f32
    %add3A_719 = arith.constant 0.693147182 : f32
    %add3A_720 = arith.addf %select_n3A_581, %add3A_719 : f32
    %select_n3A_721 = arith.select %ge3A_715, %add3A_720, %select_n3A_581 : f32
    %ge3A_722 = arith.constant 2.000000e+00 : f32
    %ge3A_723 = arith.cmpf oge, %select_n3A_718, %ge3A_722 : f32
    %mul3A_724 = arith.constant 5.000000e-01 : f32
    %mul3A_725 = arith.mulf %select_n3A_718, %mul3A_724 : f32
    %select_n3A_726 = arith.select %ge3A_723, %mul3A_725, %select_n3A_718 : f32
    %add3A_727 = arith.constant 0.693147182 : f32
    %add3A_728 = arith.addf %select_n3A_721, %add3A_727 : f32
    %select_n3A_729 = arith.select %ge3A_723, %add3A_728, %select_n3A_721 : f32
    %swap3A_730 = arith.constant 4 : i32
    %swap3A_731 = arith.index_cast %swap3A_730 : i32 to index
    %swap3A_732 = memref.load %arg5[%swap3A_731] : memref<12xi32, #tpu.memory_space<smem>>
    memref.store %select_n3A_609, %arg5[%swap3A_731] : memref<12xi32, #tpu.memory_space<smem>>
    %get3A_733 = arith.constant 15 : i32
    %get3A_734 = arith.index_cast %get3A_733 : i32 to index
    %get3A_735 = memref.load %arg4[%get3A_734] : memref<41xf32, #tpu.memory_space<smem>>
    %get3A_736 = arith.constant 16 : i32
    %get3A_737 = arith.index_cast %get3A_736 : i32 to index
    %get3A_738 = memref.load %arg4[%get3A_737] : memref<41xf32, #tpu.memory_space<smem>>
    %get3A_739 = arith.constant 17 : i32
    %get3A_740 = arith.index_cast %get3A_739 : i32 to index
    %get3A_741 = memref.load %arg4[%get3A_740] : memref<41xf32, #tpu.memory_space<smem>>
    %add3A_742 = arith.constant 0.126399696 : f32
    %add3A_743 = arith.addf %get3A_735, %add3A_742 : f32
    %add3A_744 = arith.constant -1.3229028 : f32
    %add3A_745 = arith.addf %get3A_738, %add3A_744 : f32
    %gt3A_746 = arith.cmpf ogt, %add3A_745, %add3A_743 : f32
    %select_n3A_747 = arith.select %gt3A_746, %add3A_745, %add3A_743 : f32
    %jit3A_748 = arith.constant 1 : i32
    %jit3A_749 = arith.constant 0 : i32
    %select_n3A_750 = arith.select %gt3A_746, %jit3A_748, %jit3A_749 : i32
    %max3A_751 = arith.maximumf %get3A_735, %get3A_738 : f32
    %add3A_752 = arith.constant -0.267449677 : f32
    %add3A_753 = arith.addf %get3A_741, %add3A_752 : f32
    %gt3A_754 = arith.cmpf ogt, %add3A_753, %select_n3A_747 : f32
    %select_n3A_755 = arith.select %gt3A_754, %add3A_753, %select_n3A_747 : f32
    %jit3A_756 = arith.constant 2 : i32
    %select_n3A_757 = arith.select %gt3A_754, %jit3A_756, %select_n3A_750 : i32
    %max3A_758 = arith.maximumf %max3A_751, %get3A_741 : f32
    %sub3A_759 = arith.subf %get3A_735, %max3A_758 : f32
    %mul3A_760 = arith.constant 1.44269502 : f32
    %mul3A_761 = arith.mulf %sub3A_759, %mul3A_760 : f32
    %max3A_762 = arith.constant -2.000000e+01 : f32
    %max3A_763 = arith.maximumf %mul3A_761, %max3A_762 : f32
    %mul3A_764 = arith.constant 6.250000e-02 : f32
    %mul3A_765 = arith.mulf %max3A_763, %mul3A_764 : f32
    %mul3A_766 = arith.constant 9.883000e-05 : f32
    %mul3A_767 = arith.mulf %mul3A_765, %mul3A_766 : f32
    %add3A_768 = arith.constant 1.241820e-03 : f32
    %add3A_769 = arith.addf %add3A_768, %mul3A_767 : f32
    %mul3A_770 = arith.mulf %mul3A_765, %add3A_769 : f32
    %add3A_771 = arith.constant 0.00953884981 : f32
    %add3A_772 = arith.addf %add3A_771, %mul3A_770 : f32
    %mul3A_773 = arith.mulf %mul3A_765, %add3A_772 : f32
    %add3A_774 = arith.constant 0.0554675497 : f32
    %add3A_775 = arith.addf %add3A_774, %mul3A_773 : f32
    %mul3A_776 = arith.mulf %mul3A_765, %add3A_775 : f32
    %add3A_777 = arith.constant 0.240218088 : f32
    %add3A_778 = arith.addf %add3A_777, %mul3A_776 : f32
    %mul3A_779 = arith.mulf %mul3A_765, %add3A_778 : f32
    %add3A_780 = arith.constant 0.693146407 : f32
    %add3A_781 = arith.addf %add3A_780, %mul3A_779 : f32
    %mul3A_782 = arith.mulf %mul3A_765, %add3A_781 : f32
    %add3A_783 = arith.constant 1.000000e+00 : f32
    %add3A_784 = arith.addf %add3A_783, %mul3A_782 : f32
    %mul3A_785 = arith.mulf %add3A_784, %add3A_784 : f32
    %mul3A_786 = arith.mulf %mul3A_785, %mul3A_785 : f32
    %mul3A_787 = arith.mulf %mul3A_786, %mul3A_786 : f32
    %mul3A_788 = arith.mulf %mul3A_787, %mul3A_787 : f32
    %add3A_789 = arith.constant 0.000000e+00 : f32
    %add3A_790 = arith.addf %add3A_789, %mul3A_788 : f32
    %sub3A_791 = arith.subf %get3A_738, %max3A_758 : f32
    %mul3A_792 = arith.constant 1.44269502 : f32
    %mul3A_793 = arith.mulf %sub3A_791, %mul3A_792 : f32
    %max3A_794 = arith.constant -2.000000e+01 : f32
    %max3A_795 = arith.maximumf %mul3A_793, %max3A_794 : f32
    %mul3A_796 = arith.constant 6.250000e-02 : f32
    %mul3A_797 = arith.mulf %max3A_795, %mul3A_796 : f32
    %mul3A_798 = arith.constant 9.883000e-05 : f32
    %mul3A_799 = arith.mulf %mul3A_797, %mul3A_798 : f32
    %add3A_800 = arith.constant 1.241820e-03 : f32
    %add3A_801 = arith.addf %add3A_800, %mul3A_799 : f32
    %mul3A_802 = arith.mulf %mul3A_797, %add3A_801 : f32
    %add3A_803 = arith.constant 0.00953884981 : f32
    %add3A_804 = arith.addf %add3A_803, %mul3A_802 : f32
    %mul3A_805 = arith.mulf %mul3A_797, %add3A_804 : f32
    %add3A_806 = arith.constant 0.0554675497 : f32
    %add3A_807 = arith.addf %add3A_806, %mul3A_805 : f32
    %mul3A_808 = arith.mulf %mul3A_797, %add3A_807 : f32
    %add3A_809 = arith.constant 0.240218088 : f32
    %add3A_810 = arith.addf %add3A_809, %mul3A_808 : f32
    %mul3A_811 = arith.mulf %mul3A_797, %add3A_810 : f32
    %add3A_812 = arith.constant 0.693146407 : f32
    %add3A_813 = arith.addf %add3A_812, %mul3A_811 : f32
    %mul3A_814 = arith.mulf %mul3A_797, %add3A_813 : f32
    %add3A_815 = arith.constant 1.000000e+00 : f32
    %add3A_816 = arith.addf %add3A_815, %mul3A_814 : f32
    %mul3A_817 = arith.mulf %add3A_816, %add3A_816 : f32
    %mul3A_818 = arith.mulf %mul3A_817, %mul3A_817 : f32
    %mul3A_819 = arith.mulf %mul3A_818, %mul3A_818 : f32
    %mul3A_820 = arith.mulf %mul3A_819, %mul3A_819 : f32
    %add3A_821 = arith.addf %add3A_790, %mul3A_820 : f32
    %sub3A_822 = arith.subf %get3A_741, %max3A_758 : f32
    %mul3A_823 = arith.constant 1.44269502 : f32
    %mul3A_824 = arith.mulf %sub3A_822, %mul3A_823 : f32
    %max3A_825 = arith.constant -2.000000e+01 : f32
    %max3A_826 = arith.maximumf %mul3A_824, %max3A_825 : f32
    %mul3A_827 = arith.constant 6.250000e-02 : f32
    %mul3A_828 = arith.mulf %max3A_826, %mul3A_827 : f32
    %mul3A_829 = arith.constant 9.883000e-05 : f32
    %mul3A_830 = arith.mulf %mul3A_828, %mul3A_829 : f32
    %add3A_831 = arith.constant 1.241820e-03 : f32
    %add3A_832 = arith.addf %add3A_831, %mul3A_830 : f32
    %mul3A_833 = arith.mulf %mul3A_828, %add3A_832 : f32
    %add3A_834 = arith.constant 0.00953884981 : f32
    %add3A_835 = arith.addf %add3A_834, %mul3A_833 : f32
    %mul3A_836 = arith.mulf %mul3A_828, %add3A_835 : f32
    %add3A_837 = arith.constant 0.0554675497 : f32
    %add3A_838 = arith.addf %add3A_837, %mul3A_836 : f32
    %mul3A_839 = arith.mulf %mul3A_828, %add3A_838 : f32
    %add3A_840 = arith.constant 0.240218088 : f32
    %add3A_841 = arith.addf %add3A_840, %mul3A_839 : f32
    %mul3A_842 = arith.mulf %mul3A_828, %add3A_841 : f32
    %add3A_843 = arith.constant 0.693146407 : f32
    %add3A_844 = arith.addf %add3A_843, %mul3A_842 : f32
    %mul3A_845 = arith.mulf %mul3A_828, %add3A_844 : f32
    %add3A_846 = arith.constant 1.000000e+00 : f32
    %add3A_847 = arith.addf %add3A_846, %mul3A_845 : f32
    %mul3A_848 = arith.mulf %add3A_847, %add3A_847 : f32
    %mul3A_849 = arith.mulf %mul3A_848, %mul3A_848 : f32
    %mul3A_850 = arith.mulf %mul3A_849, %mul3A_849 : f32
    %mul3A_851 = arith.mulf %mul3A_850, %mul3A_850 : f32
    %add3A_852 = arith.addf %add3A_821, %mul3A_851 : f32
    %eq3A_853 = arith.constant 1 : i32
    %eq3A_854 = arith.cmpi eq, %select_n3A_757, %eq3A_853 : i32
    %select_n3A_855 = arith.select %eq3A_854, %get3A_738, %get3A_735 : f32
    %eq3A_856 = arith.constant 2 : i32
    %eq3A_857 = arith.cmpi eq, %select_n3A_757, %eq3A_856 : i32
    %select_n3A_858 = arith.select %eq3A_857, %get3A_741, %select_n3A_855 : f32
    %sub3A_859 = arith.subf %select_n3A_858, %max3A_758 : f32
    %add3A_860 = arith.addf %add3A_712, %sub3A_859 : f32
    %mul3A_861 = arith.mulf %select_n3A_726, %add3A_852 : f32
    %ge3A_862 = arith.constant 2.000000e+00 : f32
    %ge3A_863 = arith.cmpf oge, %mul3A_861, %ge3A_862 : f32
    %mul3A_864 = arith.constant 5.000000e-01 : f32
    %mul3A_865 = arith.mulf %mul3A_861, %mul3A_864 : f32
    %select_n3A_866 = arith.select %ge3A_863, %mul3A_865, %mul3A_861 : f32
    %add3A_867 = arith.constant 0.693147182 : f32
    %add3A_868 = arith.addf %select_n3A_729, %add3A_867 : f32
    %select_n3A_869 = arith.select %ge3A_863, %add3A_868, %select_n3A_729 : f32
    %ge3A_870 = arith.constant 2.000000e+00 : f32
    %ge3A_871 = arith.cmpf oge, %select_n3A_866, %ge3A_870 : f32
    %mul3A_872 = arith.constant 5.000000e-01 : f32
    %mul3A_873 = arith.mulf %select_n3A_866, %mul3A_872 : f32
    %select_n3A_874 = arith.select %ge3A_871, %mul3A_873, %select_n3A_866 : f32
    %add3A_875 = arith.constant 0.693147182 : f32
    %add3A_876 = arith.addf %select_n3A_869, %add3A_875 : f32
    %select_n3A_877 = arith.select %ge3A_871, %add3A_876, %select_n3A_869 : f32
    %swap3A_878 = arith.constant 5 : i32
    %swap3A_879 = arith.index_cast %swap3A_878 : i32 to index
    %swap3A_880 = memref.load %arg5[%swap3A_879] : memref<12xi32, #tpu.memory_space<smem>>
    memref.store %select_n3A_757, %arg5[%swap3A_879] : memref<12xi32, #tpu.memory_space<smem>>
    %get3A_881 = arith.constant 18 : i32
    %get3A_882 = arith.index_cast %get3A_881 : i32 to index
    %get3A_883 = memref.load %arg4[%get3A_882] : memref<41xf32, #tpu.memory_space<smem>>
    %get3A_884 = arith.constant 19 : i32
    %get3A_885 = arith.index_cast %get3A_884 : i32 to index
    %get3A_886 = memref.load %arg4[%get3A_885] : memref<41xf32, #tpu.memory_space<smem>>
    %get3A_887 = arith.constant 20 : i32
    %get3A_888 = arith.index_cast %get3A_887 : i32 to index
    %get3A_889 = memref.load %arg4[%get3A_888] : memref<41xf32, #tpu.memory_space<smem>>
    %add3A_890 = arith.constant 0.0863079205 : f32
    %add3A_891 = arith.addf %get3A_883, %add3A_890 : f32
    %add3A_892 = arith.constant -0.293530524 : f32
    %add3A_893 = arith.addf %get3A_886, %add3A_892 : f32
    %gt3A_894 = arith.cmpf ogt, %add3A_893, %add3A_891 : f32
    %select_n3A_895 = arith.select %gt3A_894, %add3A_893, %add3A_891 : f32
    %jit3A_896 = arith.constant 1 : i32
    %jit3A_897 = arith.constant 0 : i32
    %select_n3A_898 = arith.select %gt3A_894, %jit3A_896, %jit3A_897 : i32
    %max3A_899 = arith.maximumf %get3A_883, %get3A_886 : f32
    %add3A_900 = arith.constant -0.33645466 : f32
    %add3A_901 = arith.addf %get3A_889, %add3A_900 : f32
    %gt3A_902 = arith.cmpf ogt, %add3A_901, %select_n3A_895 : f32
    %select_n3A_903 = arith.select %gt3A_902, %add3A_901, %select_n3A_895 : f32
    %jit3A_904 = arith.constant 2 : i32
    %select_n3A_905 = arith.select %gt3A_902, %jit3A_904, %select_n3A_898 : i32
    %max3A_906 = arith.maximumf %max3A_899, %get3A_889 : f32
    %sub3A_907 = arith.subf %get3A_883, %max3A_906 : f32
    %mul3A_908 = arith.constant 1.44269502 : f32
    %mul3A_909 = arith.mulf %sub3A_907, %mul3A_908 : f32
    %max3A_910 = arith.constant -2.000000e+01 : f32
    %max3A_911 = arith.maximumf %mul3A_909, %max3A_910 : f32
    %mul3A_912 = arith.constant 6.250000e-02 : f32
    %mul3A_913 = arith.mulf %max3A_911, %mul3A_912 : f32
    %mul3A_914 = arith.constant 9.883000e-05 : f32
    %mul3A_915 = arith.mulf %mul3A_913, %mul3A_914 : f32
    %add3A_916 = arith.constant 1.241820e-03 : f32
    %add3A_917 = arith.addf %add3A_916, %mul3A_915 : f32
    %mul3A_918 = arith.mulf %mul3A_913, %add3A_917 : f32
    %add3A_919 = arith.constant 0.00953884981 : f32
    %add3A_920 = arith.addf %add3A_919, %mul3A_918 : f32
    %mul3A_921 = arith.mulf %mul3A_913, %add3A_920 : f32
    %add3A_922 = arith.constant 0.0554675497 : f32
    %add3A_923 = arith.addf %add3A_922, %mul3A_921 : f32
    %mul3A_924 = arith.mulf %mul3A_913, %add3A_923 : f32
    %add3A_925 = arith.constant 0.240218088 : f32
    %add3A_926 = arith.addf %add3A_925, %mul3A_924 : f32
    %mul3A_927 = arith.mulf %mul3A_913, %add3A_926 : f32
    %add3A_928 = arith.constant 0.693146407 : f32
    %add3A_929 = arith.addf %add3A_928, %mul3A_927 : f32
    %mul3A_930 = arith.mulf %mul3A_913, %add3A_929 : f32
    %add3A_931 = arith.constant 1.000000e+00 : f32
    %add3A_932 = arith.addf %add3A_931, %mul3A_930 : f32
    %mul3A_933 = arith.mulf %add3A_932, %add3A_932 : f32
    %mul3A_934 = arith.mulf %mul3A_933, %mul3A_933 : f32
    %mul3A_935 = arith.mulf %mul3A_934, %mul3A_934 : f32
    %mul3A_936 = arith.mulf %mul3A_935, %mul3A_935 : f32
    %add3A_937 = arith.constant 0.000000e+00 : f32
    %add3A_938 = arith.addf %add3A_937, %mul3A_936 : f32
    %sub3A_939 = arith.subf %get3A_886, %max3A_906 : f32
    %mul3A_940 = arith.constant 1.44269502 : f32
    %mul3A_941 = arith.mulf %sub3A_939, %mul3A_940 : f32
    %max3A_942 = arith.constant -2.000000e+01 : f32
    %max3A_943 = arith.maximumf %mul3A_941, %max3A_942 : f32
    %mul3A_944 = arith.constant 6.250000e-02 : f32
    %mul3A_945 = arith.mulf %max3A_943, %mul3A_944 : f32
    %mul3A_946 = arith.constant 9.883000e-05 : f32
    %mul3A_947 = arith.mulf %mul3A_945, %mul3A_946 : f32
    %add3A_948 = arith.constant 1.241820e-03 : f32
    %add3A_949 = arith.addf %add3A_948, %mul3A_947 : f32
    %mul3A_950 = arith.mulf %mul3A_945, %add3A_949 : f32
    %add3A_951 = arith.constant 0.00953884981 : f32
    %add3A_952 = arith.addf %add3A_951, %mul3A_950 : f32
    %mul3A_953 = arith.mulf %mul3A_945, %add3A_952 : f32
    %add3A_954 = arith.constant 0.0554675497 : f32
    %add3A_955 = arith.addf %add3A_954, %mul3A_953 : f32
    %mul3A_956 = arith.mulf %mul3A_945, %add3A_955 : f32
    %add3A_957 = arith.constant 0.240218088 : f32
    %add3A_958 = arith.addf %add3A_957, %mul3A_956 : f32
    %mul3A_959 = arith.mulf %mul3A_945, %add3A_958 : f32
    %add3A_960 = arith.constant 0.693146407 : f32
    %add3A_961 = arith.addf %add3A_960, %mul3A_959 : f32
    %mul3A_962 = arith.mulf %mul3A_945, %add3A_961 : f32
    %add3A_963 = arith.constant 1.000000e+00 : f32
    %add3A_964 = arith.addf %add3A_963, %mul3A_962 : f32
    %mul3A_965 = arith.mulf %add3A_964, %add3A_964 : f32
    %mul3A_966 = arith.mulf %mul3A_965, %mul3A_965 : f32
    %mul3A_967 = arith.mulf %mul3A_966, %mul3A_966 : f32
    %mul3A_968 = arith.mulf %mul3A_967, %mul3A_967 : f32
    %add3A_969 = arith.addf %add3A_938, %mul3A_968 : f32
    %sub3A_970 = arith.subf %get3A_889, %max3A_906 : f32
    %mul3A_971 = arith.constant 1.44269502 : f32
    %mul3A_972 = arith.mulf %sub3A_970, %mul3A_971 : f32
    %max3A_973 = arith.constant -2.000000e+01 : f32
    %max3A_974 = arith.maximumf %mul3A_972, %max3A_973 : f32
    %mul3A_975 = arith.constant 6.250000e-02 : f32
    %mul3A_976 = arith.mulf %max3A_974, %mul3A_975 : f32
    %mul3A_977 = arith.constant 9.883000e-05 : f32
    %mul3A_978 = arith.mulf %mul3A_976, %mul3A_977 : f32
    %add3A_979 = arith.constant 1.241820e-03 : f32
    %add3A_980 = arith.addf %add3A_979, %mul3A_978 : f32
    %mul3A_981 = arith.mulf %mul3A_976, %add3A_980 : f32
    %add3A_982 = arith.constant 0.00953884981 : f32
    %add3A_983 = arith.addf %add3A_982, %mul3A_981 : f32
    %mul3A_984 = arith.mulf %mul3A_976, %add3A_983 : f32
    %add3A_985 = arith.constant 0.0554675497 : f32
    %add3A_986 = arith.addf %add3A_985, %mul3A_984 : f32
    %mul3A_987 = arith.mulf %mul3A_976, %add3A_986 : f32
    %add3A_988 = arith.constant 0.240218088 : f32
    %add3A_989 = arith.addf %add3A_988, %mul3A_987 : f32
    %mul3A_990 = arith.mulf %mul3A_976, %add3A_989 : f32
    %add3A_991 = arith.constant 0.693146407 : f32
    %add3A_992 = arith.addf %add3A_991, %mul3A_990 : f32
    %mul3A_993 = arith.mulf %mul3A_976, %add3A_992 : f32
    %add3A_994 = arith.constant 1.000000e+00 : f32
    %add3A_995 = arith.addf %add3A_994, %mul3A_993 : f32
    %mul3A_996 = arith.mulf %add3A_995, %add3A_995 : f32
    %mul3A_997 = arith.mulf %mul3A_996, %mul3A_996 : f32
    %mul3A_998 = arith.mulf %mul3A_997, %mul3A_997 : f32
    %mul3A_999 = arith.mulf %mul3A_998, %mul3A_998 : f32
    %add3A_1000 = arith.addf %add3A_969, %mul3A_999 : f32
    %eq3A_1001 = arith.constant 1 : i32
    %eq3A_1002 = arith.cmpi eq, %select_n3A_905, %eq3A_1001 : i32
    %select_n3A_1003 = arith.select %eq3A_1002, %get3A_886, %get3A_883 : f32
    %eq3A_1004 = arith.constant 2 : i32
    %eq3A_1005 = arith.cmpi eq, %select_n3A_905, %eq3A_1004 : i32
    %select_n3A_1006 = arith.select %eq3A_1005, %get3A_889, %select_n3A_1003 : f32
    %sub3A_1007 = arith.subf %select_n3A_1006, %max3A_906 : f32
    %add3A_1008 = arith.addf %add3A_860, %sub3A_1007 : f32
    %mul3A_1009 = arith.mulf %select_n3A_874, %add3A_1000 : f32
    %ge3A_1010 = arith.constant 2.000000e+00 : f32
    %ge3A_1011 = arith.cmpf oge, %mul3A_1009, %ge3A_1010 : f32
    %mul3A_1012 = arith.constant 5.000000e-01 : f32
    %mul3A_1013 = arith.mulf %mul3A_1009, %mul3A_1012 : f32
    %select_n3A_1014 = arith.select %ge3A_1011, %mul3A_1013, %mul3A_1009 : f32
    %add3A_1015 = arith.constant 0.693147182 : f32
    %add3A_1016 = arith.addf %select_n3A_877, %add3A_1015 : f32
    %select_n3A_1017 = arith.select %ge3A_1011, %add3A_1016, %select_n3A_877 : f32
    %ge3A_1018 = arith.constant 2.000000e+00 : f32
    %ge3A_1019 = arith.cmpf oge, %select_n3A_1014, %ge3A_1018 : f32
    %mul3A_1020 = arith.constant 5.000000e-01 : f32
    %mul3A_1021 = arith.mulf %select_n3A_1014, %mul3A_1020 : f32
    %select_n3A_1022 = arith.select %ge3A_1019, %mul3A_1021, %select_n3A_1014 : f32
    %add3A_1023 = arith.constant 0.693147182 : f32
    %add3A_1024 = arith.addf %select_n3A_1017, %add3A_1023 : f32
    %select_n3A_1025 = arith.select %ge3A_1019, %add3A_1024, %select_n3A_1017 : f32
    %swap3A_1026 = arith.constant 6 : i32
    %swap3A_1027 = arith.index_cast %swap3A_1026 : i32 to index
    %swap3A_1028 = memref.load %arg5[%swap3A_1027] : memref<12xi32, #tpu.memory_space<smem>>
    memref.store %select_n3A_905, %arg5[%swap3A_1027] : memref<12xi32, #tpu.memory_space<smem>>
    %get3A_1029 = arith.constant 21 : i32
    %get3A_1030 = arith.index_cast %get3A_1029 : i32 to index
    %get3A_1031 = memref.load %arg4[%get3A_1030] : memref<41xf32, #tpu.memory_space<smem>>
    %get3A_1032 = arith.constant 22 : i32
    %get3A_1033 = arith.index_cast %get3A_1032 : i32 to index
    %get3A_1034 = memref.load %arg4[%get3A_1033] : memref<41xf32, #tpu.memory_space<smem>>
    %get3A_1035 = arith.constant 23 : i32
    %get3A_1036 = arith.index_cast %get3A_1035 : i32 to index
    %get3A_1037 = memref.load %arg4[%get3A_1036] : memref<41xf32, #tpu.memory_space<smem>>
    %get3A_1038 = arith.constant 24 : i32
    %get3A_1039 = arith.index_cast %get3A_1038 : i32 to index
    %get3A_1040 = memref.load %arg4[%get3A_1039] : memref<41xf32, #tpu.memory_space<smem>>
    %add3A_1041 = arith.constant 0.716500521 : f32
    %add3A_1042 = arith.addf %get3A_1031, %add3A_1041 : f32
    %add3A_1043 = arith.constant 0.35544318 : f32
    %add3A_1044 = arith.addf %get3A_1034, %add3A_1043 : f32
    %gt3A_1045 = arith.cmpf ogt, %add3A_1044, %add3A_1042 : f32
    %select_n3A_1046 = arith.select %gt3A_1045, %add3A_1044, %add3A_1042 : f32
    %jit3A_1047 = arith.constant 1 : i32
    %jit3A_1048 = arith.constant 0 : i32
    %select_n3A_1049 = arith.select %gt3A_1045, %jit3A_1047, %jit3A_1048 : i32
    %max3A_1050 = arith.maximumf %get3A_1031, %get3A_1034 : f32
    %add3A_1051 = arith.constant 0.547130346 : f32
    %add3A_1052 = arith.addf %get3A_1037, %add3A_1051 : f32
    %gt3A_1053 = arith.cmpf ogt, %add3A_1052, %select_n3A_1046 : f32
    %select_n3A_1054 = arith.select %gt3A_1053, %add3A_1052, %select_n3A_1046 : f32
    %jit3A_1055 = arith.constant 2 : i32
    %select_n3A_1056 = arith.select %gt3A_1053, %jit3A_1055, %select_n3A_1049 : i32
    %max3A_1057 = arith.maximumf %max3A_1050, %get3A_1037 : f32
    %add3A_1058 = arith.constant 0.736150443 : f32
    %add3A_1059 = arith.addf %get3A_1040, %add3A_1058 : f32
    %gt3A_1060 = arith.cmpf ogt, %add3A_1059, %select_n3A_1054 : f32
    %select_n3A_1061 = arith.select %gt3A_1060, %add3A_1059, %select_n3A_1054 : f32
    %jit3A_1062 = arith.constant 3 : i32
    %select_n3A_1063 = arith.select %gt3A_1060, %jit3A_1062, %select_n3A_1056 : i32
    %max3A_1064 = arith.maximumf %max3A_1057, %get3A_1040 : f32
    %sub3A_1065 = arith.subf %get3A_1031, %max3A_1064 : f32
    %mul3A_1066 = arith.constant 1.44269502 : f32
    %mul3A_1067 = arith.mulf %sub3A_1065, %mul3A_1066 : f32
    %max3A_1068 = arith.constant -2.000000e+01 : f32
    %max3A_1069 = arith.maximumf %mul3A_1067, %max3A_1068 : f32
    %mul3A_1070 = arith.constant 6.250000e-02 : f32
    %mul3A_1071 = arith.mulf %max3A_1069, %mul3A_1070 : f32
    %mul3A_1072 = arith.constant 9.883000e-05 : f32
    %mul3A_1073 = arith.mulf %mul3A_1071, %mul3A_1072 : f32
    %add3A_1074 = arith.constant 1.241820e-03 : f32
    %add3A_1075 = arith.addf %add3A_1074, %mul3A_1073 : f32
    %mul3A_1076 = arith.mulf %mul3A_1071, %add3A_1075 : f32
    %add3A_1077 = arith.constant 0.00953884981 : f32
    %add3A_1078 = arith.addf %add3A_1077, %mul3A_1076 : f32
    %mul3A_1079 = arith.mulf %mul3A_1071, %add3A_1078 : f32
    %add3A_1080 = arith.constant 0.0554675497 : f32
    %add3A_1081 = arith.addf %add3A_1080, %mul3A_1079 : f32
    %mul3A_1082 = arith.mulf %mul3A_1071, %add3A_1081 : f32
    %add3A_1083 = arith.constant 0.240218088 : f32
    %add3A_1084 = arith.addf %add3A_1083, %mul3A_1082 : f32
    %mul3A_1085 = arith.mulf %mul3A_1071, %add3A_1084 : f32
    %add3A_1086 = arith.constant 0.693146407 : f32
    %add3A_1087 = arith.addf %add3A_1086, %mul3A_1085 : f32
    %mul3A_1088 = arith.mulf %mul3A_1071, %add3A_1087 : f32
    %add3A_1089 = arith.constant 1.000000e+00 : f32
    %add3A_1090 = arith.addf %add3A_1089, %mul3A_1088 : f32
    %mul3A_1091 = arith.mulf %add3A_1090, %add3A_1090 : f32
    %mul3A_1092 = arith.mulf %mul3A_1091, %mul3A_1091 : f32
    %mul3A_1093 = arith.mulf %mul3A_1092, %mul3A_1092 : f32
    %mul3A_1094 = arith.mulf %mul3A_1093, %mul3A_1093 : f32
    %add3A_1095 = arith.constant 0.000000e+00 : f32
    %add3A_1096 = arith.addf %add3A_1095, %mul3A_1094 : f32
    %sub3A_1097 = arith.subf %get3A_1034, %max3A_1064 : f32
    %mul3A_1098 = arith.constant 1.44269502 : f32
    %mul3A_1099 = arith.mulf %sub3A_1097, %mul3A_1098 : f32
    %max3A_1100 = arith.constant -2.000000e+01 : f32
    %max3A_1101 = arith.maximumf %mul3A_1099, %max3A_1100 : f32
    %mul3A_1102 = arith.constant 6.250000e-02 : f32
    %mul3A_1103 = arith.mulf %max3A_1101, %mul3A_1102 : f32
    %mul3A_1104 = arith.constant 9.883000e-05 : f32
    %mul3A_1105 = arith.mulf %mul3A_1103, %mul3A_1104 : f32
    %add3A_1106 = arith.constant 1.241820e-03 : f32
    %add3A_1107 = arith.addf %add3A_1106, %mul3A_1105 : f32
    %mul3A_1108 = arith.mulf %mul3A_1103, %add3A_1107 : f32
    %add3A_1109 = arith.constant 0.00953884981 : f32
    %add3A_1110 = arith.addf %add3A_1109, %mul3A_1108 : f32
    %mul3A_1111 = arith.mulf %mul3A_1103, %add3A_1110 : f32
    %add3A_1112 = arith.constant 0.0554675497 : f32
    %add3A_1113 = arith.addf %add3A_1112, %mul3A_1111 : f32
    %mul3A_1114 = arith.mulf %mul3A_1103, %add3A_1113 : f32
    %add3A_1115 = arith.constant 0.240218088 : f32
    %add3A_1116 = arith.addf %add3A_1115, %mul3A_1114 : f32
    %mul3A_1117 = arith.mulf %mul3A_1103, %add3A_1116 : f32
    %add3A_1118 = arith.constant 0.693146407 : f32
    %add3A_1119 = arith.addf %add3A_1118, %mul3A_1117 : f32
    %mul3A_1120 = arith.mulf %mul3A_1103, %add3A_1119 : f32
    %add3A_1121 = arith.constant 1.000000e+00 : f32
    %add3A_1122 = arith.addf %add3A_1121, %mul3A_1120 : f32
    %mul3A_1123 = arith.mulf %add3A_1122, %add3A_1122 : f32
    %mul3A_1124 = arith.mulf %mul3A_1123, %mul3A_1123 : f32
    %mul3A_1125 = arith.mulf %mul3A_1124, %mul3A_1124 : f32
    %mul3A_1126 = arith.mulf %mul3A_1125, %mul3A_1125 : f32
    %add3A_1127 = arith.addf %add3A_1096, %mul3A_1126 : f32
    %sub3A_1128 = arith.subf %get3A_1037, %max3A_1064 : f32
    %mul3A_1129 = arith.constant 1.44269502 : f32
    %mul3A_1130 = arith.mulf %sub3A_1128, %mul3A_1129 : f32
    %max3A_1131 = arith.constant -2.000000e+01 : f32
    %max3A_1132 = arith.maximumf %mul3A_1130, %max3A_1131 : f32
    %mul3A_1133 = arith.constant 6.250000e-02 : f32
    %mul3A_1134 = arith.mulf %max3A_1132, %mul3A_1133 : f32
    %mul3A_1135 = arith.constant 9.883000e-05 : f32
    %mul3A_1136 = arith.mulf %mul3A_1134, %mul3A_1135 : f32
    %add3A_1137 = arith.constant 1.241820e-03 : f32
    %add3A_1138 = arith.addf %add3A_1137, %mul3A_1136 : f32
    %mul3A_1139 = arith.mulf %mul3A_1134, %add3A_1138 : f32
    %add3A_1140 = arith.constant 0.00953884981 : f32
    %add3A_1141 = arith.addf %add3A_1140, %mul3A_1139 : f32
    %mul3A_1142 = arith.mulf %mul3A_1134, %add3A_1141 : f32
    %add3A_1143 = arith.constant 0.0554675497 : f32
    %add3A_1144 = arith.addf %add3A_1143, %mul3A_1142 : f32
    %mul3A_1145 = arith.mulf %mul3A_1134, %add3A_1144 : f32
    %add3A_1146 = arith.constant 0.240218088 : f32
    %add3A_1147 = arith.addf %add3A_1146, %mul3A_1145 : f32
    %mul3A_1148 = arith.mulf %mul3A_1134, %add3A_1147 : f32
    %add3A_1149 = arith.constant 0.693146407 : f32
    %add3A_1150 = arith.addf %add3A_1149, %mul3A_1148 : f32
    %mul3A_1151 = arith.mulf %mul3A_1134, %add3A_1150 : f32
    %add3A_1152 = arith.constant 1.000000e+00 : f32
    %add3A_1153 = arith.addf %add3A_1152, %mul3A_1151 : f32
    %mul3A_1154 = arith.mulf %add3A_1153, %add3A_1153 : f32
    %mul3A_1155 = arith.mulf %mul3A_1154, %mul3A_1154 : f32
    %mul3A_1156 = arith.mulf %mul3A_1155, %mul3A_1155 : f32
    %mul3A_1157 = arith.mulf %mul3A_1156, %mul3A_1156 : f32
    %add3A_1158 = arith.addf %add3A_1127, %mul3A_1157 : f32
    %sub3A_1159 = arith.subf %get3A_1040, %max3A_1064 : f32
    %mul3A_1160 = arith.constant 1.44269502 : f32
    %mul3A_1161 = arith.mulf %sub3A_1159, %mul3A_1160 : f32
    %max3A_1162 = arith.constant -2.000000e+01 : f32
    %max3A_1163 = arith.maximumf %mul3A_1161, %max3A_1162 : f32
    %mul3A_1164 = arith.constant 6.250000e-02 : f32
    %mul3A_1165 = arith.mulf %max3A_1163, %mul3A_1164 : f32
    %mul3A_1166 = arith.constant 9.883000e-05 : f32
    %mul3A_1167 = arith.mulf %mul3A_1165, %mul3A_1166 : f32
    %add3A_1168 = arith.constant 1.241820e-03 : f32
    %add3A_1169 = arith.addf %add3A_1168, %mul3A_1167 : f32
    %mul3A_1170 = arith.mulf %mul3A_1165, %add3A_1169 : f32
    %add3A_1171 = arith.constant 0.00953884981 : f32
    %add3A_1172 = arith.addf %add3A_1171, %mul3A_1170 : f32
    %mul3A_1173 = arith.mulf %mul3A_1165, %add3A_1172 : f32
    %add3A_1174 = arith.constant 0.0554675497 : f32
    %add3A_1175 = arith.addf %add3A_1174, %mul3A_1173 : f32
    %mul3A_1176 = arith.mulf %mul3A_1165, %add3A_1175 : f32
    %add3A_1177 = arith.constant 0.240218088 : f32
    %add3A_1178 = arith.addf %add3A_1177, %mul3A_1176 : f32
    %mul3A_1179 = arith.mulf %mul3A_1165, %add3A_1178 : f32
    %add3A_1180 = arith.constant 0.693146407 : f32
    %add3A_1181 = arith.addf %add3A_1180, %mul3A_1179 : f32
    %mul3A_1182 = arith.mulf %mul3A_1165, %add3A_1181 : f32
    %add3A_1183 = arith.constant 1.000000e+00 : f32
    %add3A_1184 = arith.addf %add3A_1183, %mul3A_1182 : f32
    %mul3A_1185 = arith.mulf %add3A_1184, %add3A_1184 : f32
    %mul3A_1186 = arith.mulf %mul3A_1185, %mul3A_1185 : f32
    %mul3A_1187 = arith.mulf %mul3A_1186, %mul3A_1186 : f32
    %mul3A_1188 = arith.mulf %mul3A_1187, %mul3A_1187 : f32
    %add3A_1189 = arith.addf %add3A_1158, %mul3A_1188 : f32
    %eq3A_1190 = arith.constant 1 : i32
    %eq3A_1191 = arith.cmpi eq, %select_n3A_1063, %eq3A_1190 : i32
    %select_n3A_1192 = arith.select %eq3A_1191, %get3A_1034, %get3A_1031 : f32
    %eq3A_1193 = arith.constant 2 : i32
    %eq3A_1194 = arith.cmpi eq, %select_n3A_1063, %eq3A_1193 : i32
    %select_n3A_1195 = arith.select %eq3A_1194, %get3A_1037, %select_n3A_1192 : f32
    %eq3A_1196 = arith.constant 3 : i32
    %eq3A_1197 = arith.cmpi eq, %select_n3A_1063, %eq3A_1196 : i32
    %select_n3A_1198 = arith.select %eq3A_1197, %get3A_1040, %select_n3A_1195 : f32
    %sub3A_1199 = arith.subf %select_n3A_1198, %max3A_1064 : f32
    %add3A_1200 = arith.addf %add3A_1008, %sub3A_1199 : f32
    %mul3A_1201 = arith.mulf %select_n3A_1022, %add3A_1189 : f32
    %ge3A_1202 = arith.constant 2.000000e+00 : f32
    %ge3A_1203 = arith.cmpf oge, %mul3A_1201, %ge3A_1202 : f32
    %mul3A_1204 = arith.constant 5.000000e-01 : f32
    %mul3A_1205 = arith.mulf %mul3A_1201, %mul3A_1204 : f32
    %select_n3A_1206 = arith.select %ge3A_1203, %mul3A_1205, %mul3A_1201 : f32
    %add3A_1207 = arith.constant 0.693147182 : f32
    %add3A_1208 = arith.addf %select_n3A_1025, %add3A_1207 : f32
    %select_n3A_1209 = arith.select %ge3A_1203, %add3A_1208, %select_n3A_1025 : f32
    %ge3A_1210 = arith.constant 2.000000e+00 : f32
    %ge3A_1211 = arith.cmpf oge, %select_n3A_1206, %ge3A_1210 : f32
    %mul3A_1212 = arith.constant 5.000000e-01 : f32
    %mul3A_1213 = arith.mulf %select_n3A_1206, %mul3A_1212 : f32
    %select_n3A_1214 = arith.select %ge3A_1211, %mul3A_1213, %select_n3A_1206 : f32
    %add3A_1215 = arith.constant 0.693147182 : f32
    %add3A_1216 = arith.addf %select_n3A_1209, %add3A_1215 : f32
    %select_n3A_1217 = arith.select %ge3A_1211, %add3A_1216, %select_n3A_1209 : f32
    %swap3A_1218 = arith.constant 7 : i32
    %swap3A_1219 = arith.index_cast %swap3A_1218 : i32 to index
    %swap3A_1220 = memref.load %arg5[%swap3A_1219] : memref<12xi32, #tpu.memory_space<smem>>
    memref.store %select_n3A_1063, %arg5[%swap3A_1219] : memref<12xi32, #tpu.memory_space<smem>>
    %get3A_1221 = arith.constant 25 : i32
    %get3A_1222 = arith.index_cast %get3A_1221 : i32 to index
    %get3A_1223 = memref.load %arg4[%get3A_1222] : memref<41xf32, #tpu.memory_space<smem>>
    %get3A_1224 = arith.constant 26 : i32
    %get3A_1225 = arith.index_cast %get3A_1224 : i32 to index
    %get3A_1226 = memref.load %arg4[%get3A_1225] : memref<41xf32, #tpu.memory_space<smem>>
    %get3A_1227 = arith.constant 27 : i32
    %get3A_1228 = arith.index_cast %get3A_1227 : i32 to index
    %get3A_1229 = memref.load %arg4[%get3A_1228] : memref<41xf32, #tpu.memory_space<smem>>
    %get3A_1230 = arith.constant 28 : i32
    %get3A_1231 = arith.index_cast %get3A_1230 : i32 to index
    %get3A_1232 = memref.load %arg4[%get3A_1231] : memref<41xf32, #tpu.memory_space<smem>>
    %add3A_1233 = arith.constant 0.536399961 : f32
    %add3A_1234 = arith.addf %get3A_1223, %add3A_1233 : f32
    %add3A_1235 = arith.constant 0.195448831 : f32
    %add3A_1236 = arith.addf %get3A_1226, %add3A_1235 : f32
    %gt3A_1237 = arith.cmpf ogt, %add3A_1236, %add3A_1234 : f32
    %select_n3A_1238 = arith.select %gt3A_1237, %add3A_1236, %add3A_1234 : f32
    %jit3A_1239 = arith.constant 1 : i32
    %jit3A_1240 = arith.constant 0 : i32
    %select_n3A_1241 = arith.select %gt3A_1237, %jit3A_1239, %jit3A_1240 : i32
    %max3A_1242 = arith.maximumf %get3A_1223, %get3A_1226 : f32
    %add3A_1243 = arith.constant -1.20112431 : f32
    %add3A_1244 = arith.addf %get3A_1229, %add3A_1243 : f32
    %gt3A_1245 = arith.cmpf ogt, %add3A_1244, %select_n3A_1238 : f32
    %select_n3A_1246 = arith.select %gt3A_1245, %add3A_1244, %select_n3A_1238 : f32
    %jit3A_1247 = arith.constant 2 : i32
    %select_n3A_1248 = arith.select %gt3A_1245, %jit3A_1247, %select_n3A_1241 : i32
    %max3A_1249 = arith.maximumf %max3A_1242, %get3A_1229 : f32
    %add3A_1250 = arith.constant 1.06065881 : f32
    %add3A_1251 = arith.addf %get3A_1232, %add3A_1250 : f32
    %gt3A_1252 = arith.cmpf ogt, %add3A_1251, %select_n3A_1246 : f32
    %select_n3A_1253 = arith.select %gt3A_1252, %add3A_1251, %select_n3A_1246 : f32
    %jit3A_1254 = arith.constant 3 : i32
    %select_n3A_1255 = arith.select %gt3A_1252, %jit3A_1254, %select_n3A_1248 : i32
    %max3A_1256 = arith.maximumf %max3A_1249, %get3A_1232 : f32
    %sub3A_1257 = arith.subf %get3A_1223, %max3A_1256 : f32
    %mul3A_1258 = arith.constant 1.44269502 : f32
    %mul3A_1259 = arith.mulf %sub3A_1257, %mul3A_1258 : f32
    %max3A_1260 = arith.constant -2.000000e+01 : f32
    %max3A_1261 = arith.maximumf %mul3A_1259, %max3A_1260 : f32
    %mul3A_1262 = arith.constant 6.250000e-02 : f32
    %mul3A_1263 = arith.mulf %max3A_1261, %mul3A_1262 : f32
    %mul3A_1264 = arith.constant 9.883000e-05 : f32
    %mul3A_1265 = arith.mulf %mul3A_1263, %mul3A_1264 : f32
    %add3A_1266 = arith.constant 1.241820e-03 : f32
    %add3A_1267 = arith.addf %add3A_1266, %mul3A_1265 : f32
    %mul3A_1268 = arith.mulf %mul3A_1263, %add3A_1267 : f32
    %add3A_1269 = arith.constant 0.00953884981 : f32
    %add3A_1270 = arith.addf %add3A_1269, %mul3A_1268 : f32
    %mul3A_1271 = arith.mulf %mul3A_1263, %add3A_1270 : f32
    %add3A_1272 = arith.constant 0.0554675497 : f32
    %add3A_1273 = arith.addf %add3A_1272, %mul3A_1271 : f32
    %mul3A_1274 = arith.mulf %mul3A_1263, %add3A_1273 : f32
    %add3A_1275 = arith.constant 0.240218088 : f32
    %add3A_1276 = arith.addf %add3A_1275, %mul3A_1274 : f32
    %mul3A_1277 = arith.mulf %mul3A_1263, %add3A_1276 : f32
    %add3A_1278 = arith.constant 0.693146407 : f32
    %add3A_1279 = arith.addf %add3A_1278, %mul3A_1277 : f32
    %mul3A_1280 = arith.mulf %mul3A_1263, %add3A_1279 : f32
    %add3A_1281 = arith.constant 1.000000e+00 : f32
    %add3A_1282 = arith.addf %add3A_1281, %mul3A_1280 : f32
    %mul3A_1283 = arith.mulf %add3A_1282, %add3A_1282 : f32
    %mul3A_1284 = arith.mulf %mul3A_1283, %mul3A_1283 : f32
    %mul3A_1285 = arith.mulf %mul3A_1284, %mul3A_1284 : f32
    %mul3A_1286 = arith.mulf %mul3A_1285, %mul3A_1285 : f32
    %add3A_1287 = arith.constant 0.000000e+00 : f32
    %add3A_1288 = arith.addf %add3A_1287, %mul3A_1286 : f32
    %sub3A_1289 = arith.subf %get3A_1226, %max3A_1256 : f32
    %mul3A_1290 = arith.constant 1.44269502 : f32
    %mul3A_1291 = arith.mulf %sub3A_1289, %mul3A_1290 : f32
    %max3A_1292 = arith.constant -2.000000e+01 : f32
    %max3A_1293 = arith.maximumf %mul3A_1291, %max3A_1292 : f32
    %mul3A_1294 = arith.constant 6.250000e-02 : f32
    %mul3A_1295 = arith.mulf %max3A_1293, %mul3A_1294 : f32
    %mul3A_1296 = arith.constant 9.883000e-05 : f32
    %mul3A_1297 = arith.mulf %mul3A_1295, %mul3A_1296 : f32
    %add3A_1298 = arith.constant 1.241820e-03 : f32
    %add3A_1299 = arith.addf %add3A_1298, %mul3A_1297 : f32
    %mul3A_1300 = arith.mulf %mul3A_1295, %add3A_1299 : f32
    %add3A_1301 = arith.constant 0.00953884981 : f32
    %add3A_1302 = arith.addf %add3A_1301, %mul3A_1300 : f32
    %mul3A_1303 = arith.mulf %mul3A_1295, %add3A_1302 : f32
    %add3A_1304 = arith.constant 0.0554675497 : f32
    %add3A_1305 = arith.addf %add3A_1304, %mul3A_1303 : f32
    %mul3A_1306 = arith.mulf %mul3A_1295, %add3A_1305 : f32
    %add3A_1307 = arith.constant 0.240218088 : f32
    %add3A_1308 = arith.addf %add3A_1307, %mul3A_1306 : f32
    %mul3A_1309 = arith.mulf %mul3A_1295, %add3A_1308 : f32
    %add3A_1310 = arith.constant 0.693146407 : f32
    %add3A_1311 = arith.addf %add3A_1310, %mul3A_1309 : f32
    %mul3A_1312 = arith.mulf %mul3A_1295, %add3A_1311 : f32
    %add3A_1313 = arith.constant 1.000000e+00 : f32
    %add3A_1314 = arith.addf %add3A_1313, %mul3A_1312 : f32
    %mul3A_1315 = arith.mulf %add3A_1314, %add3A_1314 : f32
    %mul3A_1316 = arith.mulf %mul3A_1315, %mul3A_1315 : f32
    %mul3A_1317 = arith.mulf %mul3A_1316, %mul3A_1316 : f32
    %mul3A_1318 = arith.mulf %mul3A_1317, %mul3A_1317 : f32
    %add3A_1319 = arith.addf %add3A_1288, %mul3A_1318 : f32
    %sub3A_1320 = arith.subf %get3A_1229, %max3A_1256 : f32
    %mul3A_1321 = arith.constant 1.44269502 : f32
    %mul3A_1322 = arith.mulf %sub3A_1320, %mul3A_1321 : f32
    %max3A_1323 = arith.constant -2.000000e+01 : f32
    %max3A_1324 = arith.maximumf %mul3A_1322, %max3A_1323 : f32
    %mul3A_1325 = arith.constant 6.250000e-02 : f32
    %mul3A_1326 = arith.mulf %max3A_1324, %mul3A_1325 : f32
    %mul3A_1327 = arith.constant 9.883000e-05 : f32
    %mul3A_1328 = arith.mulf %mul3A_1326, %mul3A_1327 : f32
    %add3A_1329 = arith.constant 1.241820e-03 : f32
    %add3A_1330 = arith.addf %add3A_1329, %mul3A_1328 : f32
    %mul3A_1331 = arith.mulf %mul3A_1326, %add3A_1330 : f32
    %add3A_1332 = arith.constant 0.00953884981 : f32
    %add3A_1333 = arith.addf %add3A_1332, %mul3A_1331 : f32
    %mul3A_1334 = arith.mulf %mul3A_1326, %add3A_1333 : f32
    %add3A_1335 = arith.constant 0.0554675497 : f32
    %add3A_1336 = arith.addf %add3A_1335, %mul3A_1334 : f32
    %mul3A_1337 = arith.mulf %mul3A_1326, %add3A_1336 : f32
    %add3A_1338 = arith.constant 0.240218088 : f32
    %add3A_1339 = arith.addf %add3A_1338, %mul3A_1337 : f32
    %mul3A_1340 = arith.mulf %mul3A_1326, %add3A_1339 : f32
    %add3A_1341 = arith.constant 0.693146407 : f32
    %add3A_1342 = arith.addf %add3A_1341, %mul3A_1340 : f32
    %mul3A_1343 = arith.mulf %mul3A_1326, %add3A_1342 : f32
    %add3A_1344 = arith.constant 1.000000e+00 : f32
    %add3A_1345 = arith.addf %add3A_1344, %mul3A_1343 : f32
    %mul3A_1346 = arith.mulf %add3A_1345, %add3A_1345 : f32
    %mul3A_1347 = arith.mulf %mul3A_1346, %mul3A_1346 : f32
    %mul3A_1348 = arith.mulf %mul3A_1347, %mul3A_1347 : f32
    %mul3A_1349 = arith.mulf %mul3A_1348, %mul3A_1348 : f32
    %add3A_1350 = arith.addf %add3A_1319, %mul3A_1349 : f32
    %sub3A_1351 = arith.subf %get3A_1232, %max3A_1256 : f32
    %mul3A_1352 = arith.constant 1.44269502 : f32
    %mul3A_1353 = arith.mulf %sub3A_1351, %mul3A_1352 : f32
    %max3A_1354 = arith.constant -2.000000e+01 : f32
    %max3A_1355 = arith.maximumf %mul3A_1353, %max3A_1354 : f32
    %mul3A_1356 = arith.constant 6.250000e-02 : f32
    %mul3A_1357 = arith.mulf %max3A_1355, %mul3A_1356 : f32
    %mul3A_1358 = arith.constant 9.883000e-05 : f32
    %mul3A_1359 = arith.mulf %mul3A_1357, %mul3A_1358 : f32
    %add3A_1360 = arith.constant 1.241820e-03 : f32
    %add3A_1361 = arith.addf %add3A_1360, %mul3A_1359 : f32
    %mul3A_1362 = arith.mulf %mul3A_1357, %add3A_1361 : f32
    %add3A_1363 = arith.constant 0.00953884981 : f32
    %add3A_1364 = arith.addf %add3A_1363, %mul3A_1362 : f32
    %mul3A_1365 = arith.mulf %mul3A_1357, %add3A_1364 : f32
    %add3A_1366 = arith.constant 0.0554675497 : f32
    %add3A_1367 = arith.addf %add3A_1366, %mul3A_1365 : f32
    %mul3A_1368 = arith.mulf %mul3A_1357, %add3A_1367 : f32
    %add3A_1369 = arith.constant 0.240218088 : f32
    %add3A_1370 = arith.addf %add3A_1369, %mul3A_1368 : f32
    %mul3A_1371 = arith.mulf %mul3A_1357, %add3A_1370 : f32
    %add3A_1372 = arith.constant 0.693146407 : f32
    %add3A_1373 = arith.addf %add3A_1372, %mul3A_1371 : f32
    %mul3A_1374 = arith.mulf %mul3A_1357, %add3A_1373 : f32
    %add3A_1375 = arith.constant 1.000000e+00 : f32
    %add3A_1376 = arith.addf %add3A_1375, %mul3A_1374 : f32
    %mul3A_1377 = arith.mulf %add3A_1376, %add3A_1376 : f32
    %mul3A_1378 = arith.mulf %mul3A_1377, %mul3A_1377 : f32
    %mul3A_1379 = arith.mulf %mul3A_1378, %mul3A_1378 : f32
    %mul3A_1380 = arith.mulf %mul3A_1379, %mul3A_1379 : f32
    %add3A_1381 = arith.addf %add3A_1350, %mul3A_1380 : f32
    %eq3A_1382 = arith.constant 1 : i32
    %eq3A_1383 = arith.cmpi eq, %select_n3A_1255, %eq3A_1382 : i32
    %select_n3A_1384 = arith.select %eq3A_1383, %get3A_1226, %get3A_1223 : f32
    %eq3A_1385 = arith.constant 2 : i32
    %eq3A_1386 = arith.cmpi eq, %select_n3A_1255, %eq3A_1385 : i32
    %select_n3A_1387 = arith.select %eq3A_1386, %get3A_1229, %select_n3A_1384 : f32
    %eq3A_1388 = arith.constant 3 : i32
    %eq3A_1389 = arith.cmpi eq, %select_n3A_1255, %eq3A_1388 : i32
    %select_n3A_1390 = arith.select %eq3A_1389, %get3A_1232, %select_n3A_1387 : f32
    %sub3A_1391 = arith.subf %select_n3A_1390, %max3A_1256 : f32
    %add3A_1392 = arith.addf %add3A_1200, %sub3A_1391 : f32
    %mul3A_1393 = arith.mulf %select_n3A_1214, %add3A_1381 : f32
    %ge3A_1394 = arith.constant 2.000000e+00 : f32
    %ge3A_1395 = arith.cmpf oge, %mul3A_1393, %ge3A_1394 : f32
    %mul3A_1396 = arith.constant 5.000000e-01 : f32
    %mul3A_1397 = arith.mulf %mul3A_1393, %mul3A_1396 : f32
    %select_n3A_1398 = arith.select %ge3A_1395, %mul3A_1397, %mul3A_1393 : f32
    %add3A_1399 = arith.constant 0.693147182 : f32
    %add3A_1400 = arith.addf %select_n3A_1217, %add3A_1399 : f32
    %select_n3A_1401 = arith.select %ge3A_1395, %add3A_1400, %select_n3A_1217 : f32
    %ge3A_1402 = arith.constant 2.000000e+00 : f32
    %ge3A_1403 = arith.cmpf oge, %select_n3A_1398, %ge3A_1402 : f32
    %mul3A_1404 = arith.constant 5.000000e-01 : f32
    %mul3A_1405 = arith.mulf %select_n3A_1398, %mul3A_1404 : f32
    %select_n3A_1406 = arith.select %ge3A_1403, %mul3A_1405, %select_n3A_1398 : f32
    %add3A_1407 = arith.constant 0.693147182 : f32
    %add3A_1408 = arith.addf %select_n3A_1401, %add3A_1407 : f32
    %select_n3A_1409 = arith.select %ge3A_1403, %add3A_1408, %select_n3A_1401 : f32
    %swap3A_1410 = arith.constant 8 : i32
    %swap3A_1411 = arith.index_cast %swap3A_1410 : i32 to index
    %swap3A_1412 = memref.load %arg5[%swap3A_1411] : memref<12xi32, #tpu.memory_space<smem>>
    memref.store %select_n3A_1255, %arg5[%swap3A_1411] : memref<12xi32, #tpu.memory_space<smem>>
    %get3A_1413 = arith.constant 29 : i32
    %get3A_1414 = arith.index_cast %get3A_1413 : i32 to index
    %get3A_1415 = memref.load %arg4[%get3A_1414] : memref<41xf32, #tpu.memory_space<smem>>
    %get3A_1416 = arith.constant 30 : i32
    %get3A_1417 = arith.index_cast %get3A_1416 : i32 to index
    %get3A_1418 = memref.load %arg4[%get3A_1417] : memref<41xf32, #tpu.memory_space<smem>>
    %get3A_1419 = arith.constant 31 : i32
    %get3A_1420 = arith.index_cast %get3A_1419 : i32 to index
    %get3A_1421 = memref.load %arg4[%get3A_1420] : memref<41xf32, #tpu.memory_space<smem>>
    %get3A_1422 = arith.constant 32 : i32
    %get3A_1423 = arith.index_cast %get3A_1422 : i32 to index
    %get3A_1424 = memref.load %arg4[%get3A_1423] : memref<41xf32, #tpu.memory_space<smem>>
    %add3A_1425 = arith.constant -0.882894814 : f32
    %add3A_1426 = arith.addf %get3A_1415, %add3A_1425 : f32
    %add3A_1427 = arith.constant 1.06957102 : f32
    %add3A_1428 = arith.addf %get3A_1418, %add3A_1427 : f32
    %gt3A_1429 = arith.cmpf ogt, %add3A_1428, %add3A_1426 : f32
    %select_n3A_1430 = arith.select %gt3A_1429, %add3A_1428, %add3A_1426 : f32
    %jit3A_1431 = arith.constant 1 : i32
    %jit3A_1432 = arith.constant 0 : i32
    %select_n3A_1433 = arith.select %gt3A_1429, %jit3A_1431, %jit3A_1432 : i32
    %max3A_1434 = arith.maximumf %get3A_1415, %get3A_1418 : f32
    %add3A_1435 = arith.constant -0.403753847 : f32
    %add3A_1436 = arith.addf %get3A_1421, %add3A_1435 : f32
    %gt3A_1437 = arith.cmpf ogt, %add3A_1436, %select_n3A_1430 : f32
    %select_n3A_1438 = arith.select %gt3A_1437, %add3A_1436, %select_n3A_1430 : f32
    %jit3A_1439 = arith.constant 2 : i32
    %select_n3A_1440 = arith.select %gt3A_1437, %jit3A_1439, %select_n3A_1433 : i32
    %max3A_1441 = arith.maximumf %max3A_1434, %get3A_1421 : f32
    %add3A_1442 = arith.constant 0.467770517 : f32
    %add3A_1443 = arith.addf %get3A_1424, %add3A_1442 : f32
    %gt3A_1444 = arith.cmpf ogt, %add3A_1443, %select_n3A_1438 : f32
    %select_n3A_1445 = arith.select %gt3A_1444, %add3A_1443, %select_n3A_1438 : f32
    %jit3A_1446 = arith.constant 3 : i32
    %select_n3A_1447 = arith.select %gt3A_1444, %jit3A_1446, %select_n3A_1440 : i32
    %max3A_1448 = arith.maximumf %max3A_1441, %get3A_1424 : f32
    %sub3A_1449 = arith.subf %get3A_1415, %max3A_1448 : f32
    %mul3A_1450 = arith.constant 1.44269502 : f32
    %mul3A_1451 = arith.mulf %sub3A_1449, %mul3A_1450 : f32
    %max3A_1452 = arith.constant -2.000000e+01 : f32
    %max3A_1453 = arith.maximumf %mul3A_1451, %max3A_1452 : f32
    %mul3A_1454 = arith.constant 6.250000e-02 : f32
    %mul3A_1455 = arith.mulf %max3A_1453, %mul3A_1454 : f32
    %mul3A_1456 = arith.constant 9.883000e-05 : f32
    %mul3A_1457 = arith.mulf %mul3A_1455, %mul3A_1456 : f32
    %add3A_1458 = arith.constant 1.241820e-03 : f32
    %add3A_1459 = arith.addf %add3A_1458, %mul3A_1457 : f32
    %mul3A_1460 = arith.mulf %mul3A_1455, %add3A_1459 : f32
    %add3A_1461 = arith.constant 0.00953884981 : f32
    %add3A_1462 = arith.addf %add3A_1461, %mul3A_1460 : f32
    %mul3A_1463 = arith.mulf %mul3A_1455, %add3A_1462 : f32
    %add3A_1464 = arith.constant 0.0554675497 : f32
    %add3A_1465 = arith.addf %add3A_1464, %mul3A_1463 : f32
    %mul3A_1466 = arith.mulf %mul3A_1455, %add3A_1465 : f32
    %add3A_1467 = arith.constant 0.240218088 : f32
    %add3A_1468 = arith.addf %add3A_1467, %mul3A_1466 : f32
    %mul3A_1469 = arith.mulf %mul3A_1455, %add3A_1468 : f32
    %add3A_1470 = arith.constant 0.693146407 : f32
    %add3A_1471 = arith.addf %add3A_1470, %mul3A_1469 : f32
    %mul3A_1472 = arith.mulf %mul3A_1455, %add3A_1471 : f32
    %add3A_1473 = arith.constant 1.000000e+00 : f32
    %add3A_1474 = arith.addf %add3A_1473, %mul3A_1472 : f32
    %mul3A_1475 = arith.mulf %add3A_1474, %add3A_1474 : f32
    %mul3A_1476 = arith.mulf %mul3A_1475, %mul3A_1475 : f32
    %mul3A_1477 = arith.mulf %mul3A_1476, %mul3A_1476 : f32
    %mul3A_1478 = arith.mulf %mul3A_1477, %mul3A_1477 : f32
    %add3A_1479 = arith.constant 0.000000e+00 : f32
    %add3A_1480 = arith.addf %add3A_1479, %mul3A_1478 : f32
    %sub3A_1481 = arith.subf %get3A_1418, %max3A_1448 : f32
    %mul3A_1482 = arith.constant 1.44269502 : f32
    %mul3A_1483 = arith.mulf %sub3A_1481, %mul3A_1482 : f32
    %max3A_1484 = arith.constant -2.000000e+01 : f32
    %max3A_1485 = arith.maximumf %mul3A_1483, %max3A_1484 : f32
    %mul3A_1486 = arith.constant 6.250000e-02 : f32
    %mul3A_1487 = arith.mulf %max3A_1485, %mul3A_1486 : f32
    %mul3A_1488 = arith.constant 9.883000e-05 : f32
    %mul3A_1489 = arith.mulf %mul3A_1487, %mul3A_1488 : f32
    %add3A_1490 = arith.constant 1.241820e-03 : f32
    %add3A_1491 = arith.addf %add3A_1490, %mul3A_1489 : f32
    %mul3A_1492 = arith.mulf %mul3A_1487, %add3A_1491 : f32
    %add3A_1493 = arith.constant 0.00953884981 : f32
    %add3A_1494 = arith.addf %add3A_1493, %mul3A_1492 : f32
    %mul3A_1495 = arith.mulf %mul3A_1487, %add3A_1494 : f32
    %add3A_1496 = arith.constant 0.0554675497 : f32
    %add3A_1497 = arith.addf %add3A_1496, %mul3A_1495 : f32
    %mul3A_1498 = arith.mulf %mul3A_1487, %add3A_1497 : f32
    %add3A_1499 = arith.constant 0.240218088 : f32
    %add3A_1500 = arith.addf %add3A_1499, %mul3A_1498 : f32
    %mul3A_1501 = arith.mulf %mul3A_1487, %add3A_1500 : f32
    %add3A_1502 = arith.constant 0.693146407 : f32
    %add3A_1503 = arith.addf %add3A_1502, %mul3A_1501 : f32
    %mul3A_1504 = arith.mulf %mul3A_1487, %add3A_1503 : f32
    %add3A_1505 = arith.constant 1.000000e+00 : f32
    %add3A_1506 = arith.addf %add3A_1505, %mul3A_1504 : f32
    %mul3A_1507 = arith.mulf %add3A_1506, %add3A_1506 : f32
    %mul3A_1508 = arith.mulf %mul3A_1507, %mul3A_1507 : f32
    %mul3A_1509 = arith.mulf %mul3A_1508, %mul3A_1508 : f32
    %mul3A_1510 = arith.mulf %mul3A_1509, %mul3A_1509 : f32
    %add3A_1511 = arith.addf %add3A_1480, %mul3A_1510 : f32
    %sub3A_1512 = arith.subf %get3A_1421, %max3A_1448 : f32
    %mul3A_1513 = arith.constant 1.44269502 : f32
    %mul3A_1514 = arith.mulf %sub3A_1512, %mul3A_1513 : f32
    %max3A_1515 = arith.constant -2.000000e+01 : f32
    %max3A_1516 = arith.maximumf %mul3A_1514, %max3A_1515 : f32
    %mul3A_1517 = arith.constant 6.250000e-02 : f32
    %mul3A_1518 = arith.mulf %max3A_1516, %mul3A_1517 : f32
    %mul3A_1519 = arith.constant 9.883000e-05 : f32
    %mul3A_1520 = arith.mulf %mul3A_1518, %mul3A_1519 : f32
    %add3A_1521 = arith.constant 1.241820e-03 : f32
    %add3A_1522 = arith.addf %add3A_1521, %mul3A_1520 : f32
    %mul3A_1523 = arith.mulf %mul3A_1518, %add3A_1522 : f32
    %add3A_1524 = arith.constant 0.00953884981 : f32
    %add3A_1525 = arith.addf %add3A_1524, %mul3A_1523 : f32
    %mul3A_1526 = arith.mulf %mul3A_1518, %add3A_1525 : f32
    %add3A_1527 = arith.constant 0.0554675497 : f32
    %add3A_1528 = arith.addf %add3A_1527, %mul3A_1526 : f32
    %mul3A_1529 = arith.mulf %mul3A_1518, %add3A_1528 : f32
    %add3A_1530 = arith.constant 0.240218088 : f32
    %add3A_1531 = arith.addf %add3A_1530, %mul3A_1529 : f32
    %mul3A_1532 = arith.mulf %mul3A_1518, %add3A_1531 : f32
    %add3A_1533 = arith.constant 0.693146407 : f32
    %add3A_1534 = arith.addf %add3A_1533, %mul3A_1532 : f32
    %mul3A_1535 = arith.mulf %mul3A_1518, %add3A_1534 : f32
    %add3A_1536 = arith.constant 1.000000e+00 : f32
    %add3A_1537 = arith.addf %add3A_1536, %mul3A_1535 : f32
    %mul3A_1538 = arith.mulf %add3A_1537, %add3A_1537 : f32
    %mul3A_1539 = arith.mulf %mul3A_1538, %mul3A_1538 : f32
    %mul3A_1540 = arith.mulf %mul3A_1539, %mul3A_1539 : f32
    %mul3A_1541 = arith.mulf %mul3A_1540, %mul3A_1540 : f32
    %add3A_1542 = arith.addf %add3A_1511, %mul3A_1541 : f32
    %sub3A_1543 = arith.subf %get3A_1424, %max3A_1448 : f32
    %mul3A_1544 = arith.constant 1.44269502 : f32
    %mul3A_1545 = arith.mulf %sub3A_1543, %mul3A_1544 : f32
    %max3A_1546 = arith.constant -2.000000e+01 : f32
    %max3A_1547 = arith.maximumf %mul3A_1545, %max3A_1546 : f32
    %mul3A_1548 = arith.constant 6.250000e-02 : f32
    %mul3A_1549 = arith.mulf %max3A_1547, %mul3A_1548 : f32
    %mul3A_1550 = arith.constant 9.883000e-05 : f32
    %mul3A_1551 = arith.mulf %mul3A_1549, %mul3A_1550 : f32
    %add3A_1552 = arith.constant 1.241820e-03 : f32
    %add3A_1553 = arith.addf %add3A_1552, %mul3A_1551 : f32
    %mul3A_1554 = arith.mulf %mul3A_1549, %add3A_1553 : f32
    %add3A_1555 = arith.constant 0.00953884981 : f32
    %add3A_1556 = arith.addf %add3A_1555, %mul3A_1554 : f32
    %mul3A_1557 = arith.mulf %mul3A_1549, %add3A_1556 : f32
    %add3A_1558 = arith.constant 0.0554675497 : f32
    %add3A_1559 = arith.addf %add3A_1558, %mul3A_1557 : f32
    %mul3A_1560 = arith.mulf %mul3A_1549, %add3A_1559 : f32
    %add3A_1561 = arith.constant 0.240218088 : f32
    %add3A_1562 = arith.addf %add3A_1561, %mul3A_1560 : f32
    %mul3A_1563 = arith.mulf %mul3A_1549, %add3A_1562 : f32
    %add3A_1564 = arith.constant 0.693146407 : f32
    %add3A_1565 = arith.addf %add3A_1564, %mul3A_1563 : f32
    %mul3A_1566 = arith.mulf %mul3A_1549, %add3A_1565 : f32
    %add3A_1567 = arith.constant 1.000000e+00 : f32
    %add3A_1568 = arith.addf %add3A_1567, %mul3A_1566 : f32
    %mul3A_1569 = arith.mulf %add3A_1568, %add3A_1568 : f32
    %mul3A_1570 = arith.mulf %mul3A_1569, %mul3A_1569 : f32
    %mul3A_1571 = arith.mulf %mul3A_1570, %mul3A_1570 : f32
    %mul3A_1572 = arith.mulf %mul3A_1571, %mul3A_1571 : f32
    %add3A_1573 = arith.addf %add3A_1542, %mul3A_1572 : f32
    %eq3A_1574 = arith.constant 1 : i32
    %eq3A_1575 = arith.cmpi eq, %select_n3A_1447, %eq3A_1574 : i32
    %select_n3A_1576 = arith.select %eq3A_1575, %get3A_1418, %get3A_1415 : f32
    %eq3A_1577 = arith.constant 2 : i32
    %eq3A_1578 = arith.cmpi eq, %select_n3A_1447, %eq3A_1577 : i32
    %select_n3A_1579 = arith.select %eq3A_1578, %get3A_1421, %select_n3A_1576 : f32
    %eq3A_1580 = arith.constant 3 : i32
    %eq3A_1581 = arith.cmpi eq, %select_n3A_1447, %eq3A_1580 : i32
    %select_n3A_1582 = arith.select %eq3A_1581, %get3A_1424, %select_n3A_1579 : f32
    %sub3A_1583 = arith.subf %select_n3A_1582, %max3A_1448 : f32
    %add3A_1584 = arith.addf %add3A_1392, %sub3A_1583 : f32
    %mul3A_1585 = arith.mulf %select_n3A_1406, %add3A_1573 : f32
    %ge3A_1586 = arith.constant 2.000000e+00 : f32
    %ge3A_1587 = arith.cmpf oge, %mul3A_1585, %ge3A_1586 : f32
    %mul3A_1588 = arith.constant 5.000000e-01 : f32
    %mul3A_1589 = arith.mulf %mul3A_1585, %mul3A_1588 : f32
    %select_n3A_1590 = arith.select %ge3A_1587, %mul3A_1589, %mul3A_1585 : f32
    %add3A_1591 = arith.constant 0.693147182 : f32
    %add3A_1592 = arith.addf %select_n3A_1409, %add3A_1591 : f32
    %select_n3A_1593 = arith.select %ge3A_1587, %add3A_1592, %select_n3A_1409 : f32
    %ge3A_1594 = arith.constant 2.000000e+00 : f32
    %ge3A_1595 = arith.cmpf oge, %select_n3A_1590, %ge3A_1594 : f32
    %mul3A_1596 = arith.constant 5.000000e-01 : f32
    %mul3A_1597 = arith.mulf %select_n3A_1590, %mul3A_1596 : f32
    %select_n3A_1598 = arith.select %ge3A_1595, %mul3A_1597, %select_n3A_1590 : f32
    %add3A_1599 = arith.constant 0.693147182 : f32
    %add3A_1600 = arith.addf %select_n3A_1593, %add3A_1599 : f32
    %select_n3A_1601 = arith.select %ge3A_1595, %add3A_1600, %select_n3A_1593 : f32
    %swap3A_1602 = arith.constant 9 : i32
    %swap3A_1603 = arith.index_cast %swap3A_1602 : i32 to index
    %swap3A_1604 = memref.load %arg5[%swap3A_1603] : memref<12xi32, #tpu.memory_space<smem>>
    memref.store %select_n3A_1447, %arg5[%swap3A_1603] : memref<12xi32, #tpu.memory_space<smem>>
    %get3A_1605 = arith.constant 33 : i32
    %get3A_1606 = arith.index_cast %get3A_1605 : i32 to index
    %get3A_1607 = memref.load %arg4[%get3A_1606] : memref<41xf32, #tpu.memory_space<smem>>
    %get3A_1608 = arith.constant 34 : i32
    %get3A_1609 = arith.index_cast %get3A_1608 : i32 to index
    %get3A_1610 = memref.load %arg4[%get3A_1609] : memref<41xf32, #tpu.memory_space<smem>>
    %get3A_1611 = arith.constant 35 : i32
    %get3A_1612 = arith.index_cast %get3A_1611 : i32 to index
    %get3A_1613 = memref.load %arg4[%get3A_1612] : memref<41xf32, #tpu.memory_space<smem>>
    %get3A_1614 = arith.constant 36 : i32
    %get3A_1615 = arith.index_cast %get3A_1614 : i32 to index
    %get3A_1616 = memref.load %arg4[%get3A_1615] : memref<41xf32, #tpu.memory_space<smem>>
    %add3A_1617 = arith.constant 0.436236769 : f32
    %add3A_1618 = arith.addf %get3A_1607, %add3A_1617 : f32
    %add3A_1619 = arith.constant -1.46744764 : f32
    %add3A_1620 = arith.addf %get3A_1610, %add3A_1619 : f32
    %gt3A_1621 = arith.cmpf ogt, %add3A_1620, %add3A_1618 : f32
    %select_n3A_1622 = arith.select %gt3A_1621, %add3A_1620, %add3A_1618 : f32
    %jit3A_1623 = arith.constant 1 : i32
    %jit3A_1624 = arith.constant 0 : i32
    %select_n3A_1625 = arith.select %gt3A_1621, %jit3A_1623, %jit3A_1624 : i32
    %max3A_1626 = arith.maximumf %get3A_1607, %get3A_1610 : f32
    %add3A_1627 = arith.constant 0.646924615 : f32
    %add3A_1628 = arith.addf %get3A_1613, %add3A_1627 : f32
    %gt3A_1629 = arith.cmpf ogt, %add3A_1628, %select_n3A_1622 : f32
    %select_n3A_1630 = arith.select %gt3A_1629, %add3A_1628, %select_n3A_1622 : f32
    %jit3A_1631 = arith.constant 2 : i32
    %select_n3A_1632 = arith.select %gt3A_1629, %jit3A_1631, %select_n3A_1625 : i32
    %max3A_1633 = arith.maximumf %max3A_1626, %get3A_1613 : f32
    %add3A_1634 = arith.constant -0.425321311 : f32
    %add3A_1635 = arith.addf %get3A_1616, %add3A_1634 : f32
    %gt3A_1636 = arith.cmpf ogt, %add3A_1635, %select_n3A_1630 : f32
    %select_n3A_1637 = arith.select %gt3A_1636, %add3A_1635, %select_n3A_1630 : f32
    %jit3A_1638 = arith.constant 3 : i32
    %select_n3A_1639 = arith.select %gt3A_1636, %jit3A_1638, %select_n3A_1632 : i32
    %max3A_1640 = arith.maximumf %max3A_1633, %get3A_1616 : f32
    %sub3A_1641 = arith.subf %get3A_1607, %max3A_1640 : f32
    %mul3A_1642 = arith.constant 1.44269502 : f32
    %mul3A_1643 = arith.mulf %sub3A_1641, %mul3A_1642 : f32
    %max3A_1644 = arith.constant -2.000000e+01 : f32
    %max3A_1645 = arith.maximumf %mul3A_1643, %max3A_1644 : f32
    %mul3A_1646 = arith.constant 6.250000e-02 : f32
    %mul3A_1647 = arith.mulf %max3A_1645, %mul3A_1646 : f32
    %mul3A_1648 = arith.constant 9.883000e-05 : f32
    %mul3A_1649 = arith.mulf %mul3A_1647, %mul3A_1648 : f32
    %add3A_1650 = arith.constant 1.241820e-03 : f32
    %add3A_1651 = arith.addf %add3A_1650, %mul3A_1649 : f32
    %mul3A_1652 = arith.mulf %mul3A_1647, %add3A_1651 : f32
    %add3A_1653 = arith.constant 0.00953884981 : f32
    %add3A_1654 = arith.addf %add3A_1653, %mul3A_1652 : f32
    %mul3A_1655 = arith.mulf %mul3A_1647, %add3A_1654 : f32
    %add3A_1656 = arith.constant 0.0554675497 : f32
    %add3A_1657 = arith.addf %add3A_1656, %mul3A_1655 : f32
    %mul3A_1658 = arith.mulf %mul3A_1647, %add3A_1657 : f32
    %add3A_1659 = arith.constant 0.240218088 : f32
    %add3A_1660 = arith.addf %add3A_1659, %mul3A_1658 : f32
    %mul3A_1661 = arith.mulf %mul3A_1647, %add3A_1660 : f32
    %add3A_1662 = arith.constant 0.693146407 : f32
    %add3A_1663 = arith.addf %add3A_1662, %mul3A_1661 : f32
    %mul3A_1664 = arith.mulf %mul3A_1647, %add3A_1663 : f32
    %add3A_1665 = arith.constant 1.000000e+00 : f32
    %add3A_1666 = arith.addf %add3A_1665, %mul3A_1664 : f32
    %mul3A_1667 = arith.mulf %add3A_1666, %add3A_1666 : f32
    %mul3A_1668 = arith.mulf %mul3A_1667, %mul3A_1667 : f32
    %mul3A_1669 = arith.mulf %mul3A_1668, %mul3A_1668 : f32
    %mul3A_1670 = arith.mulf %mul3A_1669, %mul3A_1669 : f32
    %add3A_1671 = arith.constant 0.000000e+00 : f32
    %add3A_1672 = arith.addf %add3A_1671, %mul3A_1670 : f32
    %sub3A_1673 = arith.subf %get3A_1610, %max3A_1640 : f32
    %mul3A_1674 = arith.constant 1.44269502 : f32
    %mul3A_1675 = arith.mulf %sub3A_1673, %mul3A_1674 : f32
    %max3A_1676 = arith.constant -2.000000e+01 : f32
    %max3A_1677 = arith.maximumf %mul3A_1675, %max3A_1676 : f32
    %mul3A_1678 = arith.constant 6.250000e-02 : f32
    %mul3A_1679 = arith.mulf %max3A_1677, %mul3A_1678 : f32
    %mul3A_1680 = arith.constant 9.883000e-05 : f32
    %mul3A_1681 = arith.mulf %mul3A_1679, %mul3A_1680 : f32
    %add3A_1682 = arith.constant 1.241820e-03 : f32
    %add3A_1683 = arith.addf %add3A_1682, %mul3A_1681 : f32
    %mul3A_1684 = arith.mulf %mul3A_1679, %add3A_1683 : f32
    %add3A_1685 = arith.constant 0.00953884981 : f32
    %add3A_1686 = arith.addf %add3A_1685, %mul3A_1684 : f32
    %mul3A_1687 = arith.mulf %mul3A_1679, %add3A_1686 : f32
    %add3A_1688 = arith.constant 0.0554675497 : f32
    %add3A_1689 = arith.addf %add3A_1688, %mul3A_1687 : f32
    %mul3A_1690 = arith.mulf %mul3A_1679, %add3A_1689 : f32
    %add3A_1691 = arith.constant 0.240218088 : f32
    %add3A_1692 = arith.addf %add3A_1691, %mul3A_1690 : f32
    %mul3A_1693 = arith.mulf %mul3A_1679, %add3A_1692 : f32
    %add3A_1694 = arith.constant 0.693146407 : f32
    %add3A_1695 = arith.addf %add3A_1694, %mul3A_1693 : f32
    %mul3A_1696 = arith.mulf %mul3A_1679, %add3A_1695 : f32
    %add3A_1697 = arith.constant 1.000000e+00 : f32
    %add3A_1698 = arith.addf %add3A_1697, %mul3A_1696 : f32
    %mul3A_1699 = arith.mulf %add3A_1698, %add3A_1698 : f32
    %mul3A_1700 = arith.mulf %mul3A_1699, %mul3A_1699 : f32
    %mul3A_1701 = arith.mulf %mul3A_1700, %mul3A_1700 : f32
    %mul3A_1702 = arith.mulf %mul3A_1701, %mul3A_1701 : f32
    %add3A_1703 = arith.addf %add3A_1672, %mul3A_1702 : f32
    %sub3A_1704 = arith.subf %get3A_1613, %max3A_1640 : f32
    %mul3A_1705 = arith.constant 1.44269502 : f32
    %mul3A_1706 = arith.mulf %sub3A_1704, %mul3A_1705 : f32
    %max3A_1707 = arith.constant -2.000000e+01 : f32
    %max3A_1708 = arith.maximumf %mul3A_1706, %max3A_1707 : f32
    %mul3A_1709 = arith.constant 6.250000e-02 : f32
    %mul3A_1710 = arith.mulf %max3A_1708, %mul3A_1709 : f32
    %mul3A_1711 = arith.constant 9.883000e-05 : f32
    %mul3A_1712 = arith.mulf %mul3A_1710, %mul3A_1711 : f32
    %add3A_1713 = arith.constant 1.241820e-03 : f32
    %add3A_1714 = arith.addf %add3A_1713, %mul3A_1712 : f32
    %mul3A_1715 = arith.mulf %mul3A_1710, %add3A_1714 : f32
    %add3A_1716 = arith.constant 0.00953884981 : f32
    %add3A_1717 = arith.addf %add3A_1716, %mul3A_1715 : f32
    %mul3A_1718 = arith.mulf %mul3A_1710, %add3A_1717 : f32
    %add3A_1719 = arith.constant 0.0554675497 : f32
    %add3A_1720 = arith.addf %add3A_1719, %mul3A_1718 : f32
    %mul3A_1721 = arith.mulf %mul3A_1710, %add3A_1720 : f32
    %add3A_1722 = arith.constant 0.240218088 : f32
    %add3A_1723 = arith.addf %add3A_1722, %mul3A_1721 : f32
    %mul3A_1724 = arith.mulf %mul3A_1710, %add3A_1723 : f32
    %add3A_1725 = arith.constant 0.693146407 : f32
    %add3A_1726 = arith.addf %add3A_1725, %mul3A_1724 : f32
    %mul3A_1727 = arith.mulf %mul3A_1710, %add3A_1726 : f32
    %add3A_1728 = arith.constant 1.000000e+00 : f32
    %add3A_1729 = arith.addf %add3A_1728, %mul3A_1727 : f32
    %mul3A_1730 = arith.mulf %add3A_1729, %add3A_1729 : f32
    %mul3A_1731 = arith.mulf %mul3A_1730, %mul3A_1730 : f32
    %mul3A_1732 = arith.mulf %mul3A_1731, %mul3A_1731 : f32
    %mul3A_1733 = arith.mulf %mul3A_1732, %mul3A_1732 : f32
    %add3A_1734 = arith.addf %add3A_1703, %mul3A_1733 : f32
    %sub3A_1735 = arith.subf %get3A_1616, %max3A_1640 : f32
    %mul3A_1736 = arith.constant 1.44269502 : f32
    %mul3A_1737 = arith.mulf %sub3A_1735, %mul3A_1736 : f32
    %max3A_1738 = arith.constant -2.000000e+01 : f32
    %max3A_1739 = arith.maximumf %mul3A_1737, %max3A_1738 : f32
    %mul3A_1740 = arith.constant 6.250000e-02 : f32
    %mul3A_1741 = arith.mulf %max3A_1739, %mul3A_1740 : f32
    %mul3A_1742 = arith.constant 9.883000e-05 : f32
    %mul3A_1743 = arith.mulf %mul3A_1741, %mul3A_1742 : f32
    %add3A_1744 = arith.constant 1.241820e-03 : f32
    %add3A_1745 = arith.addf %add3A_1744, %mul3A_1743 : f32
    %mul3A_1746 = arith.mulf %mul3A_1741, %add3A_1745 : f32
    %add3A_1747 = arith.constant 0.00953884981 : f32
    %add3A_1748 = arith.addf %add3A_1747, %mul3A_1746 : f32
    %mul3A_1749 = arith.mulf %mul3A_1741, %add3A_1748 : f32
    %add3A_1750 = arith.constant 0.0554675497 : f32
    %add3A_1751 = arith.addf %add3A_1750, %mul3A_1749 : f32
    %mul3A_1752 = arith.mulf %mul3A_1741, %add3A_1751 : f32
    %add3A_1753 = arith.constant 0.240218088 : f32
    %add3A_1754 = arith.addf %add3A_1753, %mul3A_1752 : f32
    %mul3A_1755 = arith.mulf %mul3A_1741, %add3A_1754 : f32
    %add3A_1756 = arith.constant 0.693146407 : f32
    %add3A_1757 = arith.addf %add3A_1756, %mul3A_1755 : f32
    %mul3A_1758 = arith.mulf %mul3A_1741, %add3A_1757 : f32
    %add3A_1759 = arith.constant 1.000000e+00 : f32
    %add3A_1760 = arith.addf %add3A_1759, %mul3A_1758 : f32
    %mul3A_1761 = arith.mulf %add3A_1760, %add3A_1760 : f32
    %mul3A_1762 = arith.mulf %mul3A_1761, %mul3A_1761 : f32
    %mul3A_1763 = arith.mulf %mul3A_1762, %mul3A_1762 : f32
    %mul3A_1764 = arith.mulf %mul3A_1763, %mul3A_1763 : f32
    %add3A_1765 = arith.addf %add3A_1734, %mul3A_1764 : f32
    %eq3A_1766 = arith.constant 1 : i32
    %eq3A_1767 = arith.cmpi eq, %select_n3A_1639, %eq3A_1766 : i32
    %select_n3A_1768 = arith.select %eq3A_1767, %get3A_1610, %get3A_1607 : f32
    %eq3A_1769 = arith.constant 2 : i32
    %eq3A_1770 = arith.cmpi eq, %select_n3A_1639, %eq3A_1769 : i32
    %select_n3A_1771 = arith.select %eq3A_1770, %get3A_1613, %select_n3A_1768 : f32
    %eq3A_1772 = arith.constant 3 : i32
    %eq3A_1773 = arith.cmpi eq, %select_n3A_1639, %eq3A_1772 : i32
    %select_n3A_1774 = arith.select %eq3A_1773, %get3A_1616, %select_n3A_1771 : f32
    %sub3A_1775 = arith.subf %select_n3A_1774, %max3A_1640 : f32
    %add3A_1776 = arith.addf %add3A_1584, %sub3A_1775 : f32
    %mul3A_1777 = arith.mulf %select_n3A_1598, %add3A_1765 : f32
    %ge3A_1778 = arith.constant 2.000000e+00 : f32
    %ge3A_1779 = arith.cmpf oge, %mul3A_1777, %ge3A_1778 : f32
    %mul3A_1780 = arith.constant 5.000000e-01 : f32
    %mul3A_1781 = arith.mulf %mul3A_1777, %mul3A_1780 : f32
    %select_n3A_1782 = arith.select %ge3A_1779, %mul3A_1781, %mul3A_1777 : f32
    %add3A_1783 = arith.constant 0.693147182 : f32
    %add3A_1784 = arith.addf %select_n3A_1601, %add3A_1783 : f32
    %select_n3A_1785 = arith.select %ge3A_1779, %add3A_1784, %select_n3A_1601 : f32
    %ge3A_1786 = arith.constant 2.000000e+00 : f32
    %ge3A_1787 = arith.cmpf oge, %select_n3A_1782, %ge3A_1786 : f32
    %mul3A_1788 = arith.constant 5.000000e-01 : f32
    %mul3A_1789 = arith.mulf %select_n3A_1782, %mul3A_1788 : f32
    %select_n3A_1790 = arith.select %ge3A_1787, %mul3A_1789, %select_n3A_1782 : f32
    %add3A_1791 = arith.constant 0.693147182 : f32
    %add3A_1792 = arith.addf %select_n3A_1785, %add3A_1791 : f32
    %select_n3A_1793 = arith.select %ge3A_1787, %add3A_1792, %select_n3A_1785 : f32
    %swap3A_1794 = arith.constant 10 : i32
    %swap3A_1795 = arith.index_cast %swap3A_1794 : i32 to index
    %swap3A_1796 = memref.load %arg5[%swap3A_1795] : memref<12xi32, #tpu.memory_space<smem>>
    memref.store %select_n3A_1639, %arg5[%swap3A_1795] : memref<12xi32, #tpu.memory_space<smem>>
    %get3A_1797 = arith.constant 37 : i32
    %get3A_1798 = arith.index_cast %get3A_1797 : i32 to index
    %get3A_1799 = memref.load %arg4[%get3A_1798] : memref<41xf32, #tpu.memory_space<smem>>
    %get3A_1800 = arith.constant 38 : i32
    %get3A_1801 = arith.index_cast %get3A_1800 : i32 to index
    %get3A_1802 = memref.load %arg4[%get3A_1801] : memref<41xf32, #tpu.memory_space<smem>>
    %get3A_1803 = arith.constant 39 : i32
    %get3A_1804 = arith.index_cast %get3A_1803 : i32 to index
    %get3A_1805 = memref.load %arg4[%get3A_1804] : memref<41xf32, #tpu.memory_space<smem>>
    %get3A_1806 = arith.constant 40 : i32
    %get3A_1807 = arith.index_cast %get3A_1806 : i32 to index
    %get3A_1808 = memref.load %arg4[%get3A_1807] : memref<41xf32, #tpu.memory_space<smem>>
    %add3A_1809 = arith.constant 0.418080539 : f32
    %add3A_1810 = arith.addf %get3A_1799, %add3A_1809 : f32
    %add3A_1811 = arith.constant 3.76841307 : f32
    %add3A_1812 = arith.addf %get3A_1802, %add3A_1811 : f32
    %gt3A_1813 = arith.cmpf ogt, %add3A_1812, %add3A_1810 : f32
    %select_n3A_1814 = arith.select %gt3A_1813, %add3A_1812, %add3A_1810 : f32
    %jit3A_1815 = arith.constant 1 : i32
    %jit3A_1816 = arith.constant 0 : i32
    %select_n3A_1817 = arith.select %gt3A_1813, %jit3A_1815, %jit3A_1816 : i32
    %max3A_1818 = arith.maximumf %get3A_1799, %get3A_1802 : f32
    %add3A_1819 = arith.constant -0.376484275 : f32
    %add3A_1820 = arith.addf %get3A_1805, %add3A_1819 : f32
    %gt3A_1821 = arith.cmpf ogt, %add3A_1820, %select_n3A_1814 : f32
    %select_n3A_1822 = arith.select %gt3A_1821, %add3A_1820, %select_n3A_1814 : f32
    %jit3A_1823 = arith.constant 2 : i32
    %select_n3A_1824 = arith.select %gt3A_1821, %jit3A_1823, %select_n3A_1817 : i32
    %max3A_1825 = arith.maximumf %max3A_1818, %get3A_1805 : f32
    %add3A_1826 = arith.constant 7.720330e-01 : f32
    %add3A_1827 = arith.addf %get3A_1808, %add3A_1826 : f32
    %gt3A_1828 = arith.cmpf ogt, %add3A_1827, %select_n3A_1822 : f32
    %select_n3A_1829 = arith.select %gt3A_1828, %add3A_1827, %select_n3A_1822 : f32
    %jit3A_1830 = arith.constant 3 : i32
    %select_n3A_1831 = arith.select %gt3A_1828, %jit3A_1830, %select_n3A_1824 : i32
    %max3A_1832 = arith.maximumf %max3A_1825, %get3A_1808 : f32
    %sub3A_1833 = arith.subf %get3A_1799, %max3A_1832 : f32
    %mul3A_1834 = arith.constant 1.44269502 : f32
    %mul3A_1835 = arith.mulf %sub3A_1833, %mul3A_1834 : f32
    %max3A_1836 = arith.constant -2.000000e+01 : f32
    %max3A_1837 = arith.maximumf %mul3A_1835, %max3A_1836 : f32
    %mul3A_1838 = arith.constant 6.250000e-02 : f32
    %mul3A_1839 = arith.mulf %max3A_1837, %mul3A_1838 : f32
    %mul3A_1840 = arith.constant 9.883000e-05 : f32
    %mul3A_1841 = arith.mulf %mul3A_1839, %mul3A_1840 : f32
    %add3A_1842 = arith.constant 1.241820e-03 : f32
    %add3A_1843 = arith.addf %add3A_1842, %mul3A_1841 : f32
    %mul3A_1844 = arith.mulf %mul3A_1839, %add3A_1843 : f32
    %add3A_1845 = arith.constant 0.00953884981 : f32
    %add3A_1846 = arith.addf %add3A_1845, %mul3A_1844 : f32
    %mul3A_1847 = arith.mulf %mul3A_1839, %add3A_1846 : f32
    %add3A_1848 = arith.constant 0.0554675497 : f32
    %add3A_1849 = arith.addf %add3A_1848, %mul3A_1847 : f32
    %mul3A_1850 = arith.mulf %mul3A_1839, %add3A_1849 : f32
    %add3A_1851 = arith.constant 0.240218088 : f32
    %add3A_1852 = arith.addf %add3A_1851, %mul3A_1850 : f32
    %mul3A_1853 = arith.mulf %mul3A_1839, %add3A_1852 : f32
    %add3A_1854 = arith.constant 0.693146407 : f32
    %add3A_1855 = arith.addf %add3A_1854, %mul3A_1853 : f32
    %mul3A_1856 = arith.mulf %mul3A_1839, %add3A_1855 : f32
    %add3A_1857 = arith.constant 1.000000e+00 : f32
    %add3A_1858 = arith.addf %add3A_1857, %mul3A_1856 : f32
    %mul3A_1859 = arith.mulf %add3A_1858, %add3A_1858 : f32
    %mul3A_1860 = arith.mulf %mul3A_1859, %mul3A_1859 : f32
    %mul3A_1861 = arith.mulf %mul3A_1860, %mul3A_1860 : f32
    %mul3A_1862 = arith.mulf %mul3A_1861, %mul3A_1861 : f32
    %add3A_1863 = arith.constant 0.000000e+00 : f32
    %add3A_1864 = arith.addf %add3A_1863, %mul3A_1862 : f32
    %sub3A_1865 = arith.subf %get3A_1802, %max3A_1832 : f32
    %mul3A_1866 = arith.constant 1.44269502 : f32
    %mul3A_1867 = arith.mulf %sub3A_1865, %mul3A_1866 : f32
    %max3A_1868 = arith.constant -2.000000e+01 : f32
    %max3A_1869 = arith.maximumf %mul3A_1867, %max3A_1868 : f32
    %mul3A_1870 = arith.constant 6.250000e-02 : f32
    %mul3A_1871 = arith.mulf %max3A_1869, %mul3A_1870 : f32
    %mul3A_1872 = arith.constant 9.883000e-05 : f32
    %mul3A_1873 = arith.mulf %mul3A_1871, %mul3A_1872 : f32
    %add3A_1874 = arith.constant 1.241820e-03 : f32
    %add3A_1875 = arith.addf %add3A_1874, %mul3A_1873 : f32
    %mul3A_1876 = arith.mulf %mul3A_1871, %add3A_1875 : f32
    %add3A_1877 = arith.constant 0.00953884981 : f32
    %add3A_1878 = arith.addf %add3A_1877, %mul3A_1876 : f32
    %mul3A_1879 = arith.mulf %mul3A_1871, %add3A_1878 : f32
    %add3A_1880 = arith.constant 0.0554675497 : f32
    %add3A_1881 = arith.addf %add3A_1880, %mul3A_1879 : f32
    %mul3A_1882 = arith.mulf %mul3A_1871, %add3A_1881 : f32
    %add3A_1883 = arith.constant 0.240218088 : f32
    %add3A_1884 = arith.addf %add3A_1883, %mul3A_1882 : f32
    %mul3A_1885 = arith.mulf %mul3A_1871, %add3A_1884 : f32
    %add3A_1886 = arith.constant 0.693146407 : f32
    %add3A_1887 = arith.addf %add3A_1886, %mul3A_1885 : f32
    %mul3A_1888 = arith.mulf %mul3A_1871, %add3A_1887 : f32
    %add3A_1889 = arith.constant 1.000000e+00 : f32
    %add3A_1890 = arith.addf %add3A_1889, %mul3A_1888 : f32
    %mul3A_1891 = arith.mulf %add3A_1890, %add3A_1890 : f32
    %mul3A_1892 = arith.mulf %mul3A_1891, %mul3A_1891 : f32
    %mul3A_1893 = arith.mulf %mul3A_1892, %mul3A_1892 : f32
    %mul3A_1894 = arith.mulf %mul3A_1893, %mul3A_1893 : f32
    %add3A_1895 = arith.addf %add3A_1864, %mul3A_1894 : f32
    %sub3A_1896 = arith.subf %get3A_1805, %max3A_1832 : f32
    %mul3A_1897 = arith.constant 1.44269502 : f32
    %mul3A_1898 = arith.mulf %sub3A_1896, %mul3A_1897 : f32
    %max3A_1899 = arith.constant -2.000000e+01 : f32
    %max3A_1900 = arith.maximumf %mul3A_1898, %max3A_1899 : f32
    %mul3A_1901 = arith.constant 6.250000e-02 : f32
    %mul3A_1902 = arith.mulf %max3A_1900, %mul3A_1901 : f32
    %mul3A_1903 = arith.constant 9.883000e-05 : f32
    %mul3A_1904 = arith.mulf %mul3A_1902, %mul3A_1903 : f32
    %add3A_1905 = arith.constant 1.241820e-03 : f32
    %add3A_1906 = arith.addf %add3A_1905, %mul3A_1904 : f32
    %mul3A_1907 = arith.mulf %mul3A_1902, %add3A_1906 : f32
    %add3A_1908 = arith.constant 0.00953884981 : f32
    %add3A_1909 = arith.addf %add3A_1908, %mul3A_1907 : f32
    %mul3A_1910 = arith.mulf %mul3A_1902, %add3A_1909 : f32
    %add3A_1911 = arith.constant 0.0554675497 : f32
    %add3A_1912 = arith.addf %add3A_1911, %mul3A_1910 : f32
    %mul3A_1913 = arith.mulf %mul3A_1902, %add3A_1912 : f32
    %add3A_1914 = arith.constant 0.240218088 : f32
    %add3A_1915 = arith.addf %add3A_1914, %mul3A_1913 : f32
    %mul3A_1916 = arith.mulf %mul3A_1902, %add3A_1915 : f32
    %add3A_1917 = arith.constant 0.693146407 : f32
    %add3A_1918 = arith.addf %add3A_1917, %mul3A_1916 : f32
    %mul3A_1919 = arith.mulf %mul3A_1902, %add3A_1918 : f32
    %add3A_1920 = arith.constant 1.000000e+00 : f32
    %add3A_1921 = arith.addf %add3A_1920, %mul3A_1919 : f32
    %mul3A_1922 = arith.mulf %add3A_1921, %add3A_1921 : f32
    %mul3A_1923 = arith.mulf %mul3A_1922, %mul3A_1922 : f32
    %mul3A_1924 = arith.mulf %mul3A_1923, %mul3A_1923 : f32
    %mul3A_1925 = arith.mulf %mul3A_1924, %mul3A_1924 : f32
    %add3A_1926 = arith.addf %add3A_1895, %mul3A_1925 : f32
    %sub3A_1927 = arith.subf %get3A_1808, %max3A_1832 : f32
    %mul3A_1928 = arith.constant 1.44269502 : f32
    %mul3A_1929 = arith.mulf %sub3A_1927, %mul3A_1928 : f32
    %max3A_1930 = arith.constant -2.000000e+01 : f32
    %max3A_1931 = arith.maximumf %mul3A_1929, %max3A_1930 : f32
    %mul3A_1932 = arith.constant 6.250000e-02 : f32
    %mul3A_1933 = arith.mulf %max3A_1931, %mul3A_1932 : f32
    %mul3A_1934 = arith.constant 9.883000e-05 : f32
    %mul3A_1935 = arith.mulf %mul3A_1933, %mul3A_1934 : f32
    %add3A_1936 = arith.constant 1.241820e-03 : f32
    %add3A_1937 = arith.addf %add3A_1936, %mul3A_1935 : f32
    %mul3A_1938 = arith.mulf %mul3A_1933, %add3A_1937 : f32
    %add3A_1939 = arith.constant 0.00953884981 : f32
    %add3A_1940 = arith.addf %add3A_1939, %mul3A_1938 : f32
    %mul3A_1941 = arith.mulf %mul3A_1933, %add3A_1940 : f32
    %add3A_1942 = arith.constant 0.0554675497 : f32
    %add3A_1943 = arith.addf %add3A_1942, %mul3A_1941 : f32
    %mul3A_1944 = arith.mulf %mul3A_1933, %add3A_1943 : f32
    %add3A_1945 = arith.constant 0.240218088 : f32
    %add3A_1946 = arith.addf %add3A_1945, %mul3A_1944 : f32
    %mul3A_1947 = arith.mulf %mul3A_1933, %add3A_1946 : f32
    %add3A_1948 = arith.constant 0.693146407 : f32
    %add3A_1949 = arith.addf %add3A_1948, %mul3A_1947 : f32
    %mul3A_1950 = arith.mulf %mul3A_1933, %add3A_1949 : f32
    %add3A_1951 = arith.constant 1.000000e+00 : f32
    %add3A_1952 = arith.addf %add3A_1951, %mul3A_1950 : f32
    %mul3A_1953 = arith.mulf %add3A_1952, %add3A_1952 : f32
    %mul3A_1954 = arith.mulf %mul3A_1953, %mul3A_1953 : f32
    %mul3A_1955 = arith.mulf %mul3A_1954, %mul3A_1954 : f32
    %mul3A_1956 = arith.mulf %mul3A_1955, %mul3A_1955 : f32
    %add3A_1957 = arith.addf %add3A_1926, %mul3A_1956 : f32
    %eq3A_1958 = arith.constant 1 : i32
    %eq3A_1959 = arith.cmpi eq, %select_n3A_1831, %eq3A_1958 : i32
    %select_n3A_1960 = arith.select %eq3A_1959, %get3A_1802, %get3A_1799 : f32
    %eq3A_1961 = arith.constant 2 : i32
    %eq3A_1962 = arith.cmpi eq, %select_n3A_1831, %eq3A_1961 : i32
    %select_n3A_1963 = arith.select %eq3A_1962, %get3A_1805, %select_n3A_1960 : f32
    %eq3A_1964 = arith.constant 3 : i32
    %eq3A_1965 = arith.cmpi eq, %select_n3A_1831, %eq3A_1964 : i32
    %select_n3A_1966 = arith.select %eq3A_1965, %get3A_1808, %select_n3A_1963 : f32
    %sub3A_1967 = arith.subf %select_n3A_1966, %max3A_1832 : f32
    %add3A_1968 = arith.addf %add3A_1776, %sub3A_1967 : f32
    %mul3A_1969 = arith.mulf %select_n3A_1790, %add3A_1957 : f32
    %ge3A_1970 = arith.constant 2.000000e+00 : f32
    %ge3A_1971 = arith.cmpf oge, %mul3A_1969, %ge3A_1970 : f32
    %mul3A_1972 = arith.constant 5.000000e-01 : f32
    %mul3A_1973 = arith.mulf %mul3A_1969, %mul3A_1972 : f32
    %select_n3A_1974 = arith.select %ge3A_1971, %mul3A_1973, %mul3A_1969 : f32
    %add3A_1975 = arith.constant 0.693147182 : f32
    %add3A_1976 = arith.addf %select_n3A_1793, %add3A_1975 : f32
    %select_n3A_1977 = arith.select %ge3A_1971, %add3A_1976, %select_n3A_1793 : f32
    %ge3A_1978 = arith.constant 2.000000e+00 : f32
    %ge3A_1979 = arith.cmpf oge, %select_n3A_1974, %ge3A_1978 : f32
    %mul3A_1980 = arith.constant 5.000000e-01 : f32
    %mul3A_1981 = arith.mulf %select_n3A_1974, %mul3A_1980 : f32
    %select_n3A_1982 = arith.select %ge3A_1979, %mul3A_1981, %select_n3A_1974 : f32
    %add3A_1983 = arith.constant 0.693147182 : f32
    %add3A_1984 = arith.addf %select_n3A_1977, %add3A_1983 : f32
    %select_n3A_1985 = arith.select %ge3A_1979, %add3A_1984, %select_n3A_1977 : f32
    %swap3A_1986 = arith.constant 11 : i32
    %swap3A_1987 = arith.index_cast %swap3A_1986 : i32 to index
    %swap3A_1988 = memref.load %arg5[%swap3A_1987] : memref<12xi32, #tpu.memory_space<smem>>
    memref.store %select_n3A_1831, %arg5[%swap3A_1987] : memref<12xi32, #tpu.memory_space<smem>>
    %sub3A_1989 = arith.constant 1.000000e+00 : f32
    %sub3A_1990 = arith.subf %select_n3A_1982, %sub3A_1989 : f32
    %mul3A_1991 = arith.constant -6.074880e-03 : f32
    %mul3A_1992 = arith.mulf %sub3A_1990, %mul3A_1991 : f32
    %add3A_1993 = arith.constant 0.0344185904 : f32
    %add3A_1994 = arith.addf %add3A_1993, %mul3A_1992 : f32
    %mul3A_1995 = arith.mulf %sub3A_1990, %add3A_1994 : f32
    %add3A_1996 = arith.constant -0.0923137664 : f32
    %add3A_1997 = arith.addf %add3A_1996, %mul3A_1995 : f32
    %mul3A_1998 = arith.mulf %sub3A_1990, %add3A_1997 : f32
    %add3A_1999 = arith.constant 0.164783493 : f32
    %add3A_2000 = arith.addf %add3A_1999, %mul3A_1998 : f32
    %mul3A_2001 = arith.mulf %sub3A_1990, %add3A_2000 : f32
    %add3A_2002 = arith.constant -0.239190713 : f32
    %add3A_2003 = arith.addf %add3A_2002, %mul3A_2001 : f32
    %mul3A_2004 = arith.mulf %sub3A_1990, %add3A_2003 : f32
    %add3A_2005 = arith.constant 0.331334025 : f32
    %add3A_2006 = arith.addf %add3A_2005, %mul3A_2004 : f32
    %mul3A_2007 = arith.mulf %sub3A_1990, %add3A_2006 : f32
    %add3A_2008 = arith.constant -0.499801159 : f32
    %add3A_2009 = arith.addf %add3A_2008, %mul3A_2007 : f32
    %mul3A_2010 = arith.mulf %sub3A_1990, %add3A_2009 : f32
    %add3A_2011 = arith.constant 0.999991476 : f32
    %add3A_2012 = arith.addf %add3A_2011, %mul3A_2010 : f32
    %mul3A_2013 = arith.mulf %sub3A_1990, %add3A_2012 : f32
    %add3A_2014 = arith.constant 9.08378723E-8 : f32
    %add3A_2015 = arith.addf %add3A_2014, %mul3A_2013 : f32
    %add3A_2016 = arith.addf %select_n3A_1985, %add3A_2015 : f32
    %sub3A_2017 = arith.subf %add3A_1968, %add3A_2016 : f32
    %swap3A_2018 = arith.constant 0 : i32
    %swap3A_2019 = arith.index_cast %swap3A_2018 : i32 to index
    %swap3A_2020 = memref.load %arg6[%swap3A_2019] : memref<1xf32, #tpu.memory_space<smem>>
    memref.store %sub3A_2017, %arg6[%swap3A_2019] : memref<1xf32, #tpu.memory_space<smem>>
    tpu.enqueue_dma source(%arg5 : memref<12xi32, #tpu.memory_space<smem>>) target(%arg2 : memref<12xi32, #tpu.memory_space<hbm>>) target_semaphore(%arg7 : memref<!tpu.dma_semaphore, #tpu.memory_space<semaphore_mem>>)
    tpu.enqueue_dma source(%arg6 : memref<1xf32, #tpu.memory_space<smem>>) target(%arg3 : memref<1xf32, #tpu.memory_space<hbm>>) target_semaphore(%arg7 : memref<!tpu.dma_semaphore, #tpu.memory_space<semaphore_mem>>)
    tpu.wait_dma2 semaphore(%arg7 : memref<!tpu.dma_semaphore, #tpu.memory_space<semaphore_mem>>) src(%arg5 : memref<12xi32, #tpu.memory_space<smem>>) dst(%arg2 : memref<12xi32, #tpu.memory_space<hbm>>)
    tpu.wait_dma2 semaphore(%arg7 : memref<!tpu.dma_semaphore, #tpu.memory_space<semaphore_mem>>) src(%arg6 : memref<1xf32, #tpu.memory_space<smem>>) dst(%arg3 : memref<1xf32, #tpu.memory_space<hbm>>)
    return
  }
}

</mosaic_0001>

<sc_bundles>
// kernel: kernel.3.cloned.1.call-start
scs
__scs_entry_jumppad:
0x0: {  	(pc) =	sbr.rel $0x88, $3  }
0x1: {  	(tag) =	ssettag $0x0;
	lr =	simm.s32 $0x1  }
0x2: {  	[smem:$0x3FA0] =	sst lr;
	_ =	strace $0xD0000000  }
0x3: {  	_ = 	snop  }
0x4: {  	_ = 	snop  }
0x5: {  	_ = 	snop  }
0x6: {  	_ = 	snop  }
0x7: {  	_ = 	snop  }
__scs_overlays_trampoline_lowered:
0x8: {  	[smem:$0x3FAF] =	sst s0  }
0x9: {  	[smem:$0x3FB0] =	sst s1  }
0xa: {  	[smem:$0x3FB1] =	sst s2  }
0xb: {  	[smem:$0x3FB2] =	sst s3  }
0xc: {  	[smem:$0x3FB3] =	sst s4  }
0xd: {  	[smem:$0x3FB4] =	sst s5  }
0xe: {  	[smem:$0x3FB5] =	sst s6  }
0xf: {  	[smem:$0x3FB6] =	sst s7  }
0x10: {  	[smem:$0x3FB7] =	sst s8  }
0x11: {  	[smem:$0x3FB8] =	sst s9;
	s0 =	simm.s32 @!p0 $0x0  }
0x12: {  	s1 =	sld [smem:$0x3F9E];
	s0 =	simm.s32 @p0 $0x1  }
0x13: {  	[smem:$0x3FB9] =	sst s0;
	s0 =	simm.s32 @!p1 $0x0  }
0x14: {  	s2 =	sld [smem:$0x3F9D];
	s0 =	simm.s32 @p1 $0x1  }
0x15: {  	[smem:$0x3FBA] =	sst s0;
	s0 =	simm.s32 @!p2 $0x0  }
0x16: {  	s3 =	sld [smem:$0x3FDB];
	s0 =	simm.s32 @p2 $0x1  }
0x17: {  	s4 =	simm.s32 $0x1BF5;
	[smem:$0x3FBC] =	sst s0  }
0x18: {  	s0 =	sld [smem:$0x3F9F];
	_ =	swait.ge [sflag:s4], $0x0  }
0x19: {  	s7 =	sld [smem:$0x3FA0]  }
0x1a: {  	s8 =	sadd.s32 $0xFFFFE003, lr  }
0x1b: {  	s9 =	sadd.s32 $0xFFFFFEF7, lr;
	s5 =	simm.s32 $0xFFFFFFFF;
	p2 =	slt.u32 s8, $0xFFFFF086  }
0x1c: {  	p1 =	slt.u32 s9, $0xF7A;
	s5 =	simm.s32 @!p2 $0x0  }
0x1d: {  	s5 =	simm.s32 @p1 $0x1;
	p0 =	seq.s32 s7, s2  }
0x1e: {  	s7 =	smul.u32 @!p0 $0xF7A, s2;
	p2 =	seq.s32 @!p0 s5, $0x0  }
0x1f: {  	s9 =	smul.u32 $0xF7A, s1;
	s8 =	simm.s32 @!p0 $0x1BF5;
	p2 =	por !p2, p0  }
0x20: {  	[sflag:s8] =	ssyncset.s32 @!p0 $0xFFFFF086;
	s6 =	sadd.s32 @!p0 s3, s7;
	s7 =	simm.s32 @!p0 $0x108  }
0x21: {  	s3 =	sadd.s32 s3, s9;
	s6 =	sadd.s32 @!p0 $0x88, s6;
	s7 =	simm.s32 @p2 $0x1082  }
0x22: {  	[simem:s7], [sflag:s8] =	dma.local @!p0 [hbm:s6], $0xF7A  }
0x23: {  	s9 =	sor.u32 $0xD0000000, s2;
	s6 =	simm.s32 $0x108;
	_ =	swait.ge @!p0 [sflag:s8], $0x0  }
0x24: {  	s3 =	sadd.s32 $0x88, s3;
	s6 =	simm.s32 @!p1 $0x1082;
	[sflag:s4] =	ssyncset.s32 $0xFFFFF086  }
0x25: {  	[simem:s6], [sflag:s4] =	dma.local [hbm:s3], $0xF7A  }
0x26: {  	[smem:$0x3FA0] =	sst s1;
	(tag) =	ssettag s2;
	_ =	strace s9  }
0x27: {  	s1 =	sld [smem:$0x3FB0]  }
0x28: {  	s2 =	sld [smem:$0x3FB1]  }
0x29: {  	s4 =	sld [smem:$0x3FB3]  }
0x2a: {  	p0 =	seq.s32 s5, $0x0;
	s5 =	sld [smem:$0x3FB4]  }
0x2b: {  	s6 =	sld [smem:$0x3FB5]  }
0x2c: {  	s7 =	sld [smem:$0x3FB6]  }
0x2d: {  	s3 =	simm.s32 $0x108;
	s8 =	sld [smem:$0x3FB7]  }
0x2e: {  	s3 =	simm.s32 @!p0 $0x1082;
	s9 =	sld [smem:$0x3FB8]  }
0x2f: {  	lr =	sadd.s32 s0, s3;
	s0 =	sld [smem:$0x3FAF]  }
0x30: {  	s3 =	sld [smem:$0x3FB2]  }
0x31: {  	[smem:$0x3FBB] =	sst s10  }
0x32: {  	s10 =	sld [smem:$0x3FB9];
	_ =	sdelay $0x3  }
0x33: {  	p0 =	seq.s32 s10, $0x1;
	s10 =	sld [smem:$0x3FBB];
	_ =	sdelay $0x3  }
0x34: {  	[smem:$0x3FBB] =	sst s10  }
0x35: {  	s10 =	sld [smem:$0x3FBA];
	_ =	sdelay $0x3  }
0x36: {  	p1 =	seq.s32 s10, $0x1;
	s10 =	sld [smem:$0x3FBB];
	_ =	sdelay $0x3  }
0x37: {  	[smem:$0x3FBB] =	sst s10  }
0x38: {  	s10 =	sld [smem:$0x3FBC]  }
0x39: {  	_ = 	snop;
	(pc) =	sbr.ind lr, $3  }
0x3a: {  	_ = 	snop  }
0x3b: {  	_ = 	snop  }
0x3c: {  	p2 =	seq.s32 s10, $0x1;
	s10 =	sld [smem:$0x3FBB]  }
0x3d: {  	_ =	shalt  }
0x3e: {  	_ =	shalt  }
0x3f: {  	_ =	shalt  }
0x40: {  	_ =	shalt  }
0x41: {  	_ =	shalt  }
0x42: {  	_ =	shalt  }
0x43: {  	_ =	shalt  }
0x44: {  	_ =	shalt  }
0x45: {  	_ =	shalt  }
0x46: {  	_ =	shalt  }
0x47: {  	_ =	shalt  }
0x48: {  	_ =	shalt  }
0x49: {  	_ =	shalt  }
0x4a: {  	_ =	shalt  }
0x4b: {  	_ =	shalt  }
0x4c: {  	_ =	shalt  }
0x4d: {  	_ =	shalt  }
0x4e: {  	_ =	shalt  }
0x4f: {  	_ =	shalt  }
0x50: {  	_ =	shalt  }
0x51: {  	_ =	shalt  }
0x52: {  	_ =	shalt  }
0x53: {  	_ =	shalt  }
0x54: {  	_ =	shalt  }
0x55: {  	_ =	shalt  }
0x56: {  	_ =	shalt  }
0x57: {  	_ =	shalt  }
0x58: {  	_ =	shalt  }
0x59: {  	_ =	shalt  }
0x5a: {  	_ =	shalt  }
0x5b: {  	_ =	shalt  }
0x5c: {  	_ =	shalt  }
0x5d: {  	_ =	shalt  }
0x5e: {  	_ =	shalt  }
0x5f: {  	_ =	shalt  }
0x60: {  	_ =	shalt  }
0x61: {  	_ =	shalt  }
0x62: {  	_ =	shalt  }
0x63: {  	_ =	shalt  }
0x64: {  	_ =	shalt  }
0x65: {  	_ =	shalt  }
0x66: {  	_ =	shalt  }
0x67: {  	_ =	shalt  }
0x68: {  	_ =	shalt  }
0x69: {  	_ =	shalt  }
0x6a: {  	_ =	shalt  }
0x6b: {  	_ =	shalt  }
0x6c: {  	_ =	shalt  }
0x6d: {  	_ =	shalt  }
0x6e: {  	_ =	shalt  }
0x6f: {  	_ =	shalt  }
0x70: {  	_ =	shalt  }
0x71: {  	_ =	shalt  }
0x72: {  	_ =	shalt  }
0x73: {  	_ =	shalt  }
0x74: {  	_ =	shalt  }
0x75: {  	_ =	shalt  }
0x76: {  	_ =	shalt  }
0x77: {  	_ =	shalt  }
0x78: {  	_ =	shalt  }
0x79: {  	_ =	shalt  }
0x7a: {  	_ =	shalt  }
0x7b: {  	_ =	shalt  }
0x7c: {  	_ =	shalt  }
0x7d: {  	_ =	shalt  }
0x7e: {  	_ =	shalt  }
0x7f: {  	_ =	shalt  }
0x80: {  	_ =	shalt  }
0x81: {  	_ =	shalt  }
0x82: {  	_ =	shalt  }
0x83: {  	_ =	shalt  }
0x84: {  	_ =	shalt  }
0x85: {  	_ =	shalt  }
0x86: {  	_ =	shalt  }
0x87: {  	_ =	shalt  }
.Lfunc_end0:
.L_simem_size_0:
called_computation_lowered:
.L_overlay_start_0:
0x88: {  	s0 =	sld [smem:$0x3FD9]  }
0x89: {  	s1 =	sld [smem:$0x3FFE];
	_ =	sdelay $0x3  }
0x8a: {  	s0 =	sadd.s32 s1, s0  }
0x8b: {  	[smem:$0x3FC7] =	sst s0  }
0x8c: {  	_ = 	snop  }
0x8d: {  	s0 =	sld [smem:$0x3FD0];
	_ =	sdelay $0x2  }
0x8e: {  	s2 =	simm.s32 $0xA;
	s3 =	simm.s32 $0x190;
	s6 =	sld [smem:$0x3FC9]  }
0x8f: {  	[smem:s3], [sflag:s2] =	dma.local [hbm:s0], $0x1  }
0x90: {  	_ =	swait.eq [sflag:s2], $0x1  }
0x91: {  	s7 =	sld [smem:$0x190]  }
0x92: {  	s8 =	sld [smem:$0x191];
	_ =	sdelay $0x2  }
0x93: {  	[sflag:s2] =	ssyncset.done $0x0;
	[dreg:$0x0] =	wrdreg s7  }
0x94: {  	[sflag:s2] =	ssyncadd.s32 $0xFFFFFFFF;
	[dreg:$0x1] =	wrdreg s8  }
0x95: {  	(tm) =	ssettm $0x1  }
0x96: {  	s9 =	sld [smem:$0x3FFB];
	_ =	sdelay $0x3  }
0x97: {  	_ =	strace s9  }
0x98: {  	s0 =	sld [smem:$0x3FFC];
	_ =	sdelay $0x3  }
0x99: {  	_ =	strace s0  }
0x9a: {  	s0 =	sld [smem:$0x3FFD];
	_ =	sdelay $0x3  }
0x9b: {  	_ =	strace s0  }
0x9c: {  	s10 =	simm.s32 $0x1B8B;
	_ =	strace $0x8FFFFFFF  }
0x9d: {  	_ =	swait.ge [sflag:s10], $0x1  }
0x9e: {  	[sflag:s10] =	ssyncset.done $0x0  }
0x9f: {  	s11 =	simm.s32 $0x1B8E;
	[sflag:s10] =	ssyncadd.s32 $0xFFFFFFFF  }
0xa0: {  	[smem:$0x3FD2] =	sst s11  }
0xa1: {  	s12 =	simm.s32 $0x9;
	s13 =	simm.s32 $0x10;
	_ =	strace $0x80000046  }
0xa2: {  	[smem:s13], [sflag:s12] =	dma.local [hbm:s6], $0x10  }
0xa3: {  	_ =	swait.ge [sflag:s12], $0x10  }
0xa4: {  	[sflag:s12] =	ssyncset.done $0x0  }
0xa5: {  	[sflag:s12] =	ssyncadd.s32 $0xFFFFFFF0  }
0xa6: {  	s6 =	sld [smem:$0x10]  }
0xa7: {  	s31 =	sld [smem:$0x11]  }
0xa8: {  	s8 =	sld [smem:$0x12];
	_ =	sdelay $0x2  }
0xa9: {  	s14 =	smax.f32 s6, s31  }
0xaa: {  	s4 =	smax.f32 s14, s8  }
0xab: {  	s0 =	ssub.f32 s6, s4  }
0xac: {  	s15 =	ssub.f32 s31, s4  }
0xad: {  	s0 =	smul.f32 $1.442695020e+00, s0  }
0xae: {  	s1 =	smul.f32 $1.442695020e+00, s15  }
0xaf: {  	s0 =	smax.f32 s0, $-2.000000000e+01  }
0xb0: {  	s1 =	smax.f32 s1, $-2.000000000e+01;
	s0 =	smul.f32 $6.250000000e-02, s0  }
0xb1: {  	s1 =	smul.f32 $6.250000000e-02, s1  }
0xb2: {  	s16 =	smul.f32 $9.883000170e-05, s0  }
0xb3: {  	[dreg:$0x19] =	wrdreg s6;
	s17 =	smul.f32 $9.883000170e-05, s1  }
0xb4: {  	s2 =	sadd.f32 $1.241820050e-03, s16  }
0xb5: {  	s3 =	sadd.f32 $1.241820050e-03, s17  }
0xb6: {  	[dreg:$0x4] =	wrdreg s4;
	s2 =	smul.f32 s2, s0  }
0xb7: {  	s4 =	ssub.f32 s8, s4;
	s3 =	smul.f32 s3, s1  }
0xb8: {  	s2 =	sadd.f32 $9.538849810e-03, s2  }
0xb9: {  	s4 =	smul.f32 $1.442695020e+00, s4;
	s3 =	sadd.f32 $9.538849810e-03, s3  }
0xba: {  	[dreg:$0x13] =	wrdreg s8;
	s2 =	smul.f32 s2, s0  }
0xbb: {  	s5 =	sadd.f32 $4.550971980e-01, s6;
	s3 =	smul.f32 s3, s1  }
0xbc: {  	s4 =	smax.f32 s4, $-2.000000000e+01;
	s2 =	sadd.f32 $5.546754970e-02, s2  }
0xbd: {  	s4 =	smul.f32 $6.250000000e-02, s4;
	s3 =	sadd.f32 $5.546754970e-02, s3  }
0xbe: {  	s6 =	sadd.f32 $-1.487612130e-01, s31;
	s2 =	smul.f32 s2, s0  }
0xbf: {  	s8 =	sadd.f32 $2.266623020e+00, s8;
	s3 =	smul.f32 s3, s1  }
0xc0: {  	s7 =	smul.f32 $9.883000170e-05, s4;
	s2 =	sadd.f32 $2.402180880e-01, s2  }
0xc1: {  	s3 =	sadd.f32 $2.402180880e-01, s3  }
0xc2: {  	s7 =	sadd.f32 $1.241820050e-03, s7;
	s2 =	smul.f32 s2, s0  }
0xc3: {  	p0 =	sgt.f32 s6, s5;
	s3 =	smul.f32 s3, s1  }
0xc4: {  	s7 =	smul.f32 s7, s4;
	s2 =	sadd.f32 $6.931464070e-01, s2  }
0xc5: {  	s3 =	sadd.f32 $6.931464070e-01, s3  }
0xc6: {  	s5 =	smov.u32 @p0 s6;
	s18 =	sadd.f32 $9.538849810e-03, s7;
	s0 =	smul.f32 s2, s0  }
0xc7: {  	p1 =	sgt.f32 s8, s5;
	s1 =	smul.f32 s3, s1  }
0xc8: {  	s3 =	simm.s32 $0x1;
	s2 =	smul.f32 s18, s4;
	s0 =	sadd.f32 $1.000000000e+00, s0  }
0xc9: {  	s3 =	simm.s32 @!p0 $0x0;
	s1 =	sadd.f32 $1.000000000e+00, s1  }
0xca: {  	s3 =	simm.s32 @p1 $0x2;
	s2 =	sadd.f32 $5.546754970e-02, s2  }
0xcb: {  	[smem:$0x90] =	sst s3  }
0xcc: {  	s0 =	smul.f32 s0, s0;
	s24 =	sld [smem:$0x13]  }
0xcd: {  	s20 =	sld [smem:$0x14];
	s2 =	smul.f32 s2, s4  }
0xce: {  	s19 =	sld [smem:$0x15];
	s1 =	smul.f32 s1, s1  }
0xcf: {  	s0 =	smul.f32 s0, s0  }
0xd0: {  	s2 =	sadd.f32 $2.402180880e-01, s2;
	s1 =	smul.f32 s1, s1  }
0xd1: {  	s0 =	smul.f32 s0, s0;
	s21 =	smax.f32 s24, s20  }
0xd2: {  	s2 =	smul.f32 s2, s4;
	s22 =	smax.f32 s21, s19  }
0xd3: {  	s1 =	smul.f32 s1, s1;
	s3 =	ssub.f32 s24, s22  }
0xd4: {  	s0 =	smul.f32 s0, s0;
	s2 =	sadd.f32 $6.931464070e-01, s2  }
0xd5: {  	s23 =	ssub.f32 s20, s22;
	s3 =	smul.f32 $1.442695020e+00, s3  }
0xd6: {  	s2 =	smul.f32 s2, s4  }
0xd7: {  	s4 =	smul.f32 $1.442695020e+00, s23  }
0xd8: {  	s3 =	smax.f32 s3, $-2.000000000e+01;
	s2 =	sadd.f32 $1.000000000e+00, s2  }
0xd9: {  	s4 =	smax.f32 s4, $-2.000000000e+01;
	s3 =	smul.f32 $6.250000000e-02, s3  }
0xda: {  	s4 =	smul.f32 $6.250000000e-02, s4  }
0xdb: {  	s9 =	simm.s32 @!p0 $0x0;
	s2 =	smul.f32 s2, s2  }
0xdc: {  	s9 =	simm.s32 @p0 $0x1;
	s5 =	simm.s32 @!p1 $0x0;
	s25 =	smul.f32 $9.883000170e-05, s3  }
0xdd: {  	[smem:$0x3F71] =	sst s9;
	s5 =	simm.s32 @p1 $0x1;
	s26 =	smul.f32 $9.883000170e-05, s4  }
0xde: {  	[smem:$0x3F70] =	sst s5;
	s2 =	smul.f32 s2, s2  }
0xdf: {  	s1 =	smul.f32 s1, s1;
	s5 =	sadd.f32 $1.241820050e-03, s25  }
0xe0: {  	s6 =	sadd.f32 $1.241820050e-03, s26;
	s2 =	smul.f32 s2, s2  }
0xe1: {  	[dreg:$0x18] =	wrdreg s19;
	s5 =	smul.f32 s5, s3  }
0xe2: {  	s0 =	sadd.f32 s1, s0;
	s6 =	smul.f32 s6, s4  }
0xe3: {  	s28 =	smul.f32 s2, s2;
	s5 =	sadd.f32 $9.538849810e-03, s5  }
0xe4: {  	s30 =	sadd.f32 $9.538849810e-03, s6  }
0xe5: {  	s0 =	sadd.f32 s0, s28;
	s29 =	smul.f32 s5, s3  }
0xe6: {  	s7 =	sadd.f32 $1.433699250e+00, s20;
	s9 =	smul.f32 s30, s4  }
0xe7: {  	p0 =	sge.f32 s0, $2.000000000e+00;
	s6 =	sadd.f32 $5.546754970e-02, s29  }
0xe8: {  	s2 =	sadd.f32 $5.546754970e-02, s9  }
0xe9: {  	s8 =	sadd.f32 $-5.338171720e-01, s19;
	s5 =	simm.s32 @!p0 $0x0;
	s1 =	smul.f32 s6, s3  }
0xea: {  	s10 =	ssub.f32 s19, s22;
	s5 =	simm.s32 @p0 $0x1;
	s2 =	smul.f32 s2, s4  }
0xeb: {  	[smem:$0x3F72] =	sst s5;
	s5 =	smul.f32 $5.000000000e-01, s0  }
0xec: {  	s1 =	sadd.f32 $2.402180880e-01, s1  }
0xed: {  	s2 =	sadd.f32 $2.402180880e-01, s2;
	s0 =	smov.u32 @p0 s5;
	s5 =	smul.f32 $1.442695020e+00, s10  }
0xee: {  	s6 =	sadd.f32 $1.145969510e+00, s24;
	s1 =	smul.f32 s1, s3  }
0xef: {  	s2 =	smul.f32 s2, s4;
	s5 =	smax.f32 s5, $-2.000000000e+01  }
0xf0: {  	p0 =	sgt.f32 s7, s6;
	s5 =	smul.f32 $6.250000000e-02, s5  }
0xf1: {  	s1 =	sadd.f32 $6.931464070e-01, s1  }
0xf2: {  	s6 =	smov.u32 @p0 s7;
	s2 =	sadd.f32 $6.931464070e-01, s2;
	s11 =	smul.f32 $9.883000170e-05, s5  }
0xf3: {  	p6 =	sgt.f32 s8, s6;
	s1 =	smul.f32 s1, s3  }
0xf4: {  	s2 =	smul.f32 s2, s4;
	s4 =	simm.s32 $0x1;
	s12 =	sadd.f32 $1.241820050e-03, s11  }
0xf5: {  	s4 =	simm.s32 @!p0 $0x0;
	s1 =	sadd.f32 $1.000000000e+00, s1  }
0xf6: {  	s2 =	sadd.f32 $1.000000000e+00, s2;
	s4 =	simm.s32 @p6 $0x2  }
0xf7: {  	[smem:$0x91] =	sst s4;
	s4 =	smul.f32 $5.000000000e-01, s0  }
0xf8: {  	s3 =	smul.f32 s12, s5;
	s30 =	sld [smem:$0x16]  }
0xf9: {  	s1 =	smul.f32 s1, s1;
	s19 =	sld [smem:$0x17]  }
0xfa: {  	s10 =	sld [smem:$0x18];
	s2 =	smul.f32 s2, s2  }
0xfb: {  	s3 =	sadd.f32 $9.538849810e-03, s3;
	s1 =	smul.f32 s1, s1  }
0xfc: {  	s9 =	simm.s32 @!p0 $0x0;
	s2 =	smul.f32 s2, s2  }
0xfd: {  	s9 =	simm.s32 @p0 $0x1;
	p0 =	sge.f32 s0, $2.000000000e+00;
	s3 =	smul.f32 s3, s5  }
0xfe: {  	s1 =	smul.f32 s1, s1;
	s13 =	smax.f32 s30, s19  }
0xff: {  	s2 =	smul.f32 s2, s2;
	s14 =	smax.f32 s13, s10  }
0x100: {  	s3 =	sadd.f32 $5.546754970e-02, s3;
	s1 =	smul.f32 s1, s1  }
0x101: {  	s6 =	ssub.f32 s30, s14;
	s2 =	smul.f32 s2, s2  }
0x102: {  	s15 =	ssub.f32 s19, s14;
	s3 =	smul.f32 s3, s5  }
0x103: {  	s23 =	ssub.f32 s10, s14;
	s6 =	smul.f32 $1.442695020e+00, s6  }
0x104: {  	[dreg:$0x3] =	wrdreg s22;
	s7 =	smul.f32 $1.442695020e+00, s15  }
0x105: {  	[smem:$0x3F74] =	sst s9;
	s11 =	simm.s32 @!p0 $0x0;
	s25 =	smul.f32 $1.442695020e+00, s23  }
0x106: {  	s11 =	simm.s32 @p0 $0x1;
	s3 =	sadd.f32 $2.402180880e-01, s3;
	s7 =	smax.f32 s7, $-2.000000000e+01  }
0x107: {  	[smem:$0x3F73] =	sst s11;
	s7 =	smul.f32 $6.250000000e-02, s7  }
0x108: {  	s6 =	smax.f32 s6, $-2.000000000e+01;
	s3 =	smul.f32 s3, s5  }
0x109: {  	[dreg:$0xc] =	wrdreg s10;
	s6 =	smul.f32 $6.250000000e-02, s6  }
0x10a: {  	s17 =	smul.f32 $9.883000170e-05, s7;
	s3 =	sadd.f32 $6.931464070e-01, s3  }
0x10b: {  	s0 =	smov.u32 @p0 s4;
	s4 =	smax.f32 s25, $-2.000000000e+01;
	s16 =	smul.f32 $9.883000170e-05, s6  }
0x10c: {  	s8 =	sadd.f32 $1.241820050e-03, s17;
	s3 =	smul.f32 s3, s5  }
0x10d: {  	s4 =	smul.f32 $6.250000000e-02, s4;
	s5 =	sadd.f32 $1.241820050e-03, s16  }
0x10e: {  	s8 =	smul.f32 s8, s7;
	s3 =	sadd.f32 $1.000000000e+00, s3  }
0x10f: {  	[dreg:$0x2] =	wrdreg s14;
	s5 =	smul.f32 s5, s6  }
0x110: {  	s10 =	sadd.f32 $-7.252203230e-01, s10;
	s3 =	smul.f32 s3, s3  }
0x111: {  	s29 =	smul.f32 $9.883000170e-05, s4;
	s5 =	sadd.f32 $9.538849810e-03, s5  }
0x112: {  	s22 =	sadd.f32 $9.538849810e-03, s8;
	s3 =	smul.f32 s3, s3  }
0x113: {  	s1 =	sadd.f32 s2, s1;
	s21 =	smul.f32 s5, s6  }
0x114: {  	s9 =	sadd.f32 $1.241820050e-03, s29;
	s5 =	smul.f32 s22, s7  }
0x115: {  	s8 =	sadd.f32 $1.119504930e+00, s19;
	s18 =	smul.f32 s3, s3  }
0x116: {  	s9 =	smul.f32 s9, s4;
	s3 =	sadd.f32 $5.546754970e-02, s21  }
0x117: {  	s28 =	sadd.f32 $5.546754970e-02, s5;
	s2 =	smul.f32 s18, s18  }
0x118: {  	s5 =	sadd.f32 $9.048451780e-01, s30;
	s26 =	smul.f32 s3, s6  }
0x119: {  	s3 =	smul.f32 s28, s7;
	s1 =	sadd.f32 s1, s2  }
0x11a: {  	p0 =	sgt.f32 s8, s5;
	s2 =	sadd.f32 $2.402180880e-01, s26  }
0x11b: {  	s3 =	sadd.f32 $2.402180880e-01, s3  }
0x11c: {  	s12 =	sadd.f32 $9.538849810e-03, s9;
	s5 =	smov.u32 @p0 s8;
	s2 =	smul.f32 s2, s6  }
0x11d: {  	s11 =	simm.s32 @!p0 $0x0;
	p1 =	sgt.f32 s10, s5;
	s3 =	smul.f32 s3, s7  }
0x11e: {  	s11 =	simm.s32 @p0 $0x1;
	s2 =	sadd.f32 $6.931464070e-01, s2  }
0x11f: {  	s0 =	smul.f32 s1, s0;
	s5 =	simm.s32 @!p1 $0x0;
	s3 =	sadd.f32 $6.931464070e-01, s3  }
0x120: {  	[smem:$0x3F78] =	sst s11;
	s5 =	simm.s32 @p1 $0x1;
	s2 =	smul.f32 s2, s6  }
0x121: {  	[smem:$0x3F77] =	sst s5;
	s3 =	smul.f32 s3, s7  }
0x122: {  	s7 =	simm.s32 $0x1;
	s6 =	smul.f32 s12, s4;
	s2 =	sadd.f32 $1.000000000e+00, s2  }
0x123: {  	s7 =	simm.s32 @!p0 $0x0;
	s3 =	sadd.f32 $1.000000000e+00, s3  }
0x124: {  	p2 =	sge.f32 s0, $2.000000000e+00;
	s7 =	simm.s32 @p1 $0x2;
	s13 =	sadd.f32 $5.546754970e-02, s6  }
0x125: {  	[smem:$0x92] =	sst s7  }
0x126: {  	s11 =	simm.s32 @!p2 $0x0;
	s2 =	smul.f32 s2, s2;
	s28 =	sld [smem:$0x19]  }
0x127: {  	s11 =	simm.s32 @p2 $0x1;
	s22 =	sld [smem:$0x1A];
	s15 =	smul.f32 s13, s4  }
0x128: {  	[smem:$0x3F75] =	sst s11;
	s3 =	smul.f32 s3, s3  }
0x129: {  	s12 =	sld [smem:$0x1B];
	s14 =	smul.f32 s2, s2  }
0x12a: {  	s2 =	sadd.f32 $2.402180880e-01, s15;
	s3 =	smul.f32 s3, s3  }
0x12b: {  	s1 =	smul.f32 s14, s14;
	s16 =	smax.f32 s28, s22  }
0x12c: {  	s2 =	smul.f32 s2, s4;
	s7 =	sadd.f32 $5.747568610e-02, s28  }
0x12d: {  	s3 =	smul.f32 s3, s3;
	[dreg:$0xb] =	wrdreg s12  }
0x12e: {  	s29 =	sadd.f32 $-1.090421440e+00, s12;
	s17 =	smax.f32 s16, s12  }
0x12f: {  	s1 =	smul.f32 s1, s1;
	s5 =	ssub.f32 s28, s17  }
0x130: {  	s2 =	sadd.f32 $6.931464070e-01, s2;
	s3 =	smul.f32 s3, s3  }
0x131: {  	s10 =	ssub.f32 s12, s17;
	s12 =	smul.f32 $5.000000000e-01, s0  }
0x132: {  	s21 =	ssub.f32 s22, s17;
	s5 =	smul.f32 $1.442695020e+00, s5  }
0x133: {  	s9 =	sadd.f32 $-8.987302180e-01, s22;
	s2 =	smul.f32 s2, s4  }
0x134: {  	s18 =	smax.f32 s5, $-2.000000000e+01;
	s5 =	smul.f32 $1.442695020e+00, s21  }
0x135: {  	p0 =	sgt.f32 s9, s7;
	s4 =	smul.f32 $6.250000000e-02, s18  }
0x136: {  	s26 =	smul.f32 $1.442695020e+00, s10;
	s2 =	sadd.f32 $1.000000000e+00, s2  }
0x137: {  	s5 =	smax.f32 s5, $-2.000000000e+01;
	s23 =	smul.f32 $9.883000170e-05, s4  }
0x138: {  	s7 =	smov.u32 @p0 s9;
	s9 =	simm.s32 @!p0 $0x0;
	s5 =	smul.f32 $6.250000000e-02, s5  }
0x139: {  	s9 =	simm.s32 @p0 $0x1;
	s2 =	smul.f32 s2, s2;
	s6 =	sadd.f32 $1.241820050e-03, s23  }
0x13a: {  	[smem:$0x3F7C] =	sst s9;
	s25 =	smul.f32 $9.883000170e-05, s5  }
0x13b: {  	s9 =	smax.f32 s26, $-2.000000000e+01;
	s6 =	smul.f32 s6, s4  }
0x13c: {  	s10 =	smul.f32 $6.250000000e-02, s9;
	s8 =	sadd.f32 $1.241820050e-03, s25  }
0x13d: {  	s2 =	smul.f32 s2, s2;
	s6 =	sadd.f32 $9.538849810e-03, s6  }
0x13e: {  	[dreg:$0x5] =	wrdreg s17;
	s8 =	smul.f32 s8, s5  }
0x13f: {  	s1 =	sadd.f32 s3, s1;
	s6 =	smul.f32 s6, s4  }
0x140: {  	s9 =	smul.f32 $9.883000170e-05, s10;
	s8 =	sadd.f32 $9.538849810e-03, s8  }
0x141: {  	s2 =	smul.f32 s2, s2;
	s6 =	sadd.f32 $5.546754970e-02, s6  }
0x142: {  	s0 =	smov.u32 @p2 s12;
	s9 =	sadd.f32 $1.241820050e-03, s9;
	s8 =	smul.f32 s8, s5  }
0x143: {  	p2 =	sge.f32 s0, $2.000000000e+00;
	s6 =	smul.f32 s6, s4  }
0x144: {  	s12 =	smul.f32 s9, s10;
	s8 =	sadd.f32 $5.546754970e-02, s8  }
0x145: {  	s2 =	smul.f32 s2, s2;
	s6 =	sadd.f32 $2.402180880e-01, s6  }
0x146: {  	s11 =	smul.f32 s8, s5;
	s8 =	sadd.f32 $9.538849810e-03, s12  }
0x147: {  	s1 =	sadd.f32 s1, s2;
	s6 =	smul.f32 s6, s4  }
0x148: {  	s3 =	sadd.f32 $2.402180880e-01, s11;
	s15 =	smul.f32 s8, s10;
	s8 =	simm.s32 @!p2 $0x0  }
0x149: {  	p1 =	sgt.f32 s29, s7;
	s8 =	simm.s32 @p2 $0x1;
	s14 =	sadd.f32 $6.931464070e-01, s6  }
0x14a: {  	s13 =	smul.f32 s3, s5;
	[smem:$0x3F76] =	sst s8  }
0x14b: {  	s7 =	simm.s32 @!p1 $0x0;
	s8 =	smul.f32 $5.000000000e-01, s0;
	s16 =	sadd.f32 $5.546754970e-02, s15  }
0x14c: {  	s7 =	simm.s32 @p1 $0x1;
	s3 =	smul.f32 s14, s4;
	s2 =	sadd.f32 $6.931464070e-01, s13  }
0x14d: {  	[smem:$0x3F7B] =	sst s7;
	s0 =	smov.u32 @p2 s8;
	s4 =	smul.f32 s16, s10  }
0x14e: {  	s2 =	smul.f32 s2, s5;
	s5 =	simm.s32 $0x1;
	s3 =	sadd.f32 $1.000000000e+00, s3  }
0x14f: {  	s0 =	smul.f32 s0, s1;
	s4 =	sadd.f32 $2.402180880e-01, s4;
	s5 =	simm.s32 @!p0 $0x0  }
0x150: {  	s3 =	smul.f32 s3, s3;
	s2 =	sadd.f32 $1.000000000e+00, s2;
	s5 =	simm.s32 @p1 $0x2  }
0x151: {  	s4 =	smul.f32 s4, s10;
	[smem:$0x93] =	sst s5  }
0x152: {  	p1 =	sge.f32 s0, $2.000000000e+00;
	s17 =	sld [smem:$0x1C]  }
0x153: {  	s3 =	smul.f32 s3, s3;
	s5 =	sld [smem:$0x1D]  }
0x154: {  	s21 =	sadd.f32 $6.931464070e-01, s4;
	s2 =	smul.f32 s2, s2;
	s7 =	simm.s32 @!p1 $0x0  }
0x155: {  	s25 =	sld [smem:$0x1E];
	s7 =	simm.s32 @p1 $0x1;
	s18 =	smul.f32 s3, s3  }
0x156: {  	s3 =	smul.f32 s21, s10;
	[smem:$0x3F79] =	sst s7  }
0x157: {  	s2 =	smul.f32 s2, s2;
	s4 =	sadd.f32 $1.217178580e+00, s17  }
0x158: {  	s7 =	smul.f32 $5.000000000e-01, s0;
	s23 =	smov.u32 s5;
	s5 =	sadd.f32 $5.724615450e-01, s5  }
0x159: {  	s1 =	smul.f32 s18, s18;
	s3 =	sadd.f32 $1.000000000e+00, s3  }
0x15a: {  	s2 =	smul.f32 s2, s2  }
0x15b: {  	p0 =	sgt.f32 s5, s4;
	s3 =	smul.f32 s3, s3  }
0x15c: {  	[dreg:$0x10] =	wrdreg s17;
	s2 =	smul.f32 s2, s2  }
0x15d: {  	s6 =	sadd.f32 $2.879864450e+00, s25;
	s4 =	smov.u32 @p0 s5;
	s5 =	simm.s32 @!p0 $0x0  }
0x15e: {  	s3 =	smul.f32 s3, s3;
	s1 =	sadd.f32 s2, s1;
	s5 =	simm.s32 @p0 $0x1  }
0x15f: {  	s0 =	smov.u32 @p1 s7;
	s26 =	smax.f32 s17, s23;
	[smem:$0x3F7F] =	sst s5  }
0x160: {  	s29 =	smov.u32 s23;
	s5 =	smax.f32 s26, s25;
	s3 =	smul.f32 s3, s3  }
0x161: {  	p1 =	sge.f32 s0, $2.000000000e+00;
	s8 =	ssub.f32 s17, s5;
	s11 =	smov.u32 s5  }
0x162: {  	s3 =	smul.f32 s3, s3;
	s14 =	ssub.f32 s29, s11  }
0x163: {  	s15 =	ssub.f32 s25, s11;
	s12 =	smul.f32 $1.442695020e+00, s8  }
0x164: {  	p4 =	sgt.f32 s6, s4;
	s5 =	smul.f32 $1.442695020e+00, s14  }
0x165: {  	s6 =	smul.f32 $1.442695020e+00, s15;
	s4 =	smax.f32 s12, $-2.000000000e+01  }
0x166: {  	s2 =	smul.f32 $6.250000000e-02, s4;
	s5 =	smax.f32 s5, $-2.000000000e+01  }
0x167: {  	s4 =	simm.s32 @!p1 $0x0;
	s17 =	smax.f32 s6, $-2.000000000e+01;
	s16 =	smul.f32 $6.250000000e-02, s5  }
0x168: {  	[dreg:$0x14] =	wrdreg s25;
	s4 =	simm.s32 @p1 $0x1;
	s5 =	smul.f32 $6.250000000e-02, s17  }
0x169: {  	[smem:$0x3F7A] =	sst s4;
	s4 =	smul.f32 $5.000000000e-01, s0  }
0x16a: {  	[dreg:$0x1a] =	wrdreg s29;
	s13 =	smul.f32 $9.883000170e-05, s2  }
0x16b: {  	[dreg:$0x7] =	wrdreg s11;
	s18 =	smul.f32 $9.883000170e-05, s16  }
0x16c: {  	s1 =	sadd.f32 s1, s3;
	s21 =	smul.f32 $9.883000170e-05, s5  }
0x16d: {  	s0 =	smov.u32 @p1 s4;
	s4 =	simm.s32 $0x1;
	s3 =	sadd.f32 $1.241820050e-03, s13  }
0x16e: {  	s4 =	simm.s32 @!p0 $0x0;
	s23 =	sadd.f32 $1.241820050e-03, s18  }
0x16f: {  	s25 =	sadd.f32 $1.241820050e-03, s21;
	s4 =	simm.s32 @p4 $0x2  }
0x170: {  	[smem:$0x94] =	sst s4  }
0x171: {  	s0 =	smul.f32 s0, s1;
	s10 =	sld [smem:$0x1F]  }
0x172: {  	s3 =	smul.f32 s3, s2;
	s13 =	sld [smem:$0x20]  }
0x173: {  	s1 =	smul.f32 s23, s16;
	s12 =	sld [smem:$0x21]  }
0x174: {  	s6 =	smul.f32 s25, s5;
	s3 =	sadd.f32 $9.538849810e-03, s3  }
0x175: {  	s1 =	sadd.f32 $9.538849810e-03, s1  }
0x176: {  	s6 =	sadd.f32 $9.538849810e-03, s6;
	s3 =	smul.f32 s3, s2  }
0x177: {  	[dreg:$0x8] =	wrdreg s10  }
0x178: {  	s1 =	smul.f32 s1, s16;
	s3 =	sadd.f32 $5.546754970e-02, s3  }
0x179: {  	s6 =	smul.f32 s6, s5;
	s9 =	sadd.f32 $1.263996960e-01, s10  }
0x17a: {  	s26 =	smax.f32 s10, s13;
	s1 =	sadd.f32 $5.546754970e-02, s1  }
0x17b: {  	s29 =	smax.f32 s26, s12;
	s6 =	sadd.f32 $5.546754970e-02, s6  }
0x17c: {  	s7 =	ssub.f32 s10, s29  }
0x17d: {  	[dreg:$0x6] =	wrdreg s29  }
0x17e: {  	s17 =	ssub.f32 s13, s29  }
0x17f: {  	s18 =	ssub.f32 s12, s29  }
0x180: {  	s3 =	smul.f32 s3, s2;
	s10 =	sadd.f32 $-1.322902800e+00, s13  }
0x181: {  	s29 =	sadd.f32 $-2.674496770e-01, s12;
	s1 =	smul.f32 s1, s16  }
0x182: {  	s7 =	smul.f32 $1.442695020e+00, s7;
	s3 =	sadd.f32 $2.402180880e-01, s3  }
0x183: {  	s6 =	smul.f32 s6, s5;
	s1 =	sadd.f32 $2.402180880e-01, s1  }
0x184: {  	s7 =	smax.f32 s7, $-2.000000000e+01;
	s3 =	smul.f32 s3, s2  }
0x185: {  	s6 =	sadd.f32 $2.402180880e-01, s6;
	s7 =	smul.f32 $6.250000000e-02, s7  }
0x186: {  	p0 =	sgt.f32 s10, s9;
	s1 =	smul.f32 s1, s16  }
0x187: {  	s6 =	smul.f32 s6, s5;
	s3 =	sadd.f32 $6.931464070e-01, s3  }
0x188: {  	s11 =	smul.f32 $9.883000170e-05, s7;
	s1 =	sadd.f32 $6.931464070e-01, s1  }
0x189: {  	s9 =	smov.u32 @p0 s10;
	s14 =	sadd.f32 $6.931464070e-01, s6;
	s6 =	smul.f32 $1.442695020e+00, s18  }
0x18a: {  	p1 =	sgt.f32 s29, s9;
	s2 =	smul.f32 s3, s2  }
0x18b: {  	s1 =	smul.f32 s1, s16  }
0x18c: {  	p2 =	sge.f32 s0, $2.000000000e+00;
	s9 =	simm.s32 @!p1 $0x0;
	s3 =	smul.f32 s14, s5  }
0x18d: {  	s9 =	simm.s32 @p1 $0x1;
	s8 =	sadd.f32 $1.241820050e-03, s11;
	s5 =	smul.f32 $1.442695020e+00, s17  }
0x18e: {  	s6 =	smax.f32 s6, $-2.000000000e+01;
	[smem:$0x3F83] =	sst s9;
	s9 =	simm.s32 @!p2 $0x0  }
0x18f: {  	s2 =	sadd.f32 $1.000000000e+00, s2;
	s9 =	simm.s32 @p2 $0x1;
	s8 =	smul.f32 s8, s7  }
0x190: {  	s6 =	smul.f32 $6.250000000e-02, s6;
	[smem:$0x3F7D] =	sst s9  }
0x191: {  	s9 =	smul.f32 $5.000000000e-01, s0;
	s8 =	sadd.f32 $9.538849810e-03, s8  }
0x192: {  	s2 =	smul.f32 s2, s2  }
0x193: {  	s5 =	smax.f32 s5, $-2.000000000e+01;
	s15 =	smul.f32 s8, s7  }
0x194: {  	s1 =	sadd.f32 $1.000000000e+00, s1;
	s5 =	smul.f32 $6.250000000e-02, s5  }
0x195: {  	s23 =	smul.f32 $9.883000170e-05, s6;
	s16 =	sadd.f32 $5.546754970e-02, s15  }
0x196: {  	s3 =	sadd.f32 $1.000000000e+00, s3;
	s1 =	smul.f32 s1, s1  }
0x197: {  	s4 =	smul.f32 s16, s7  }
0x198: {  	s3 =	smul.f32 s3, s3  }
0x199: {  	s2 =	smul.f32 s2, s2;
	s4 =	sadd.f32 $2.402180880e-01, s4  }
0x19a: {  	s21 =	smul.f32 $9.883000170e-05, s5  }
0x19b: {  	s26 =	sadd.f32 $1.241820050e-03, s23;
	s4 =	smul.f32 s4, s7  }
0x19c: {  	s1 =	smul.f32 s1, s1  }
0x19d: {  	s8 =	smul.f32 s26, s6;
	s4 =	sadd.f32 $6.931464070e-01, s4  }
0x19e: {  	s3 =	smul.f32 s3, s3;
	s25 =	sadd.f32 $1.241820050e-03, s21  }
0x19f: {  	s8 =	sadd.f32 $9.538849810e-03, s8;
	s4 =	smul.f32 s4, s7  }
0x1a0: {  	s7 =	smul.f32 s25, s5  }
0x1a1: {  	s8 =	smul.f32 s8, s6  }
0x1a2: {  	s2 =	smul.f32 s2, s2;
	s7 =	sadd.f32 $9.538849810e-03, s7  }
0x1a3: {  	s1 =	smul.f32 s1, s1;
	s8 =	sadd.f32 $5.546754970e-02, s8  }
0x1a4: {  	s7 =	smul.f32 s7, s5  }
0x1a5: {  	[dreg:$0xa] =	wrdreg s12;
	s8 =	smul.f32 s8, s6  }
0x1a6: {  	s12 =	smul.f32 s3, s3;
	s7 =	sadd.f32 $5.546754970e-02, s7  }
0x1a7: {  	s2 =	smul.f32 s2, s2;
	s8 =	sadd.f32 $2.402180880e-01, s8  }
0x1a8: {  	[dreg:$0x9] =	wrdreg s13;
	s7 =	smul.f32 s7, s5  }
0x1a9: {  	s8 =	smul.f32 s8, s6;
	s4 =	sadd.f32 $1.000000000e+00, s4  }
0x1aa: {  	s10 =	simm.s32 @!p0 $0x0;
	s1 =	smul.f32 s1, s1;
	s7 =	sadd.f32 $2.402180880e-01, s7  }
0x1ab: {  	s10 =	simm.s32 @p0 $0x1;
	s11 =	sadd.f32 $6.931464070e-01, s8;
	s4 =	smul.f32 s4, s4  }
0x1ac: {  	[smem:$0x3F84] =	sst s10;
	s7 =	smul.f32 s7, s5  }
0x1ad: {  	s1 =	sadd.f32 s1, s2;
	s13 =	smul.f32 s11, s6;
	s6 =	simm.s32 $0x1  }
0x1ae: {  	s2 =	smul.f32 s12, s12;
	s6 =	simm.s32 @!p0 $0x0;
	s7 =	sadd.f32 $6.931464070e-01, s7  }
0x1af: {  	s4 =	smul.f32 s4, s4;
	s6 =	simm.s32 @p1 $0x2;
	s3 =	sadd.f32 $1.000000000e+00, s13  }
0x1b0: {  	[smem:$0x95] =	sst s6;
	s5 =	smul.f32 s7, s5  }
0x1b1: {  	s4 =	smul.f32 s4, s4;
	s29 =	sld [smem:$0x22]  }
0x1b2: {  	s3 =	smul.f32 s3, s3;
	s5 =	sadd.f32 $1.000000000e+00, s5  }
0x1b3: {  	s14 =	sld [smem:$0x23];
	s4 =	smul.f32 s4, s4  }
0x1b4: {  	s15 =	sld [smem:$0x24];
	s5 =	smul.f32 s5, s5  }
0x1b5: {  	s0 =	smov.u32 @p2 s9;
	s1 =	sadd.f32 s1, s2;
	s3 =	smul.f32 s3, s3  }
0x1b6: {  	p0 =	sge.f32 s0, $2.000000000e+00;
	s5 =	smul.f32 s5, s5  }
0x1b7: {  	[dreg:$0xd] =	wrdreg s14;
	s17 =	smax.f32 s29, s14  }
0x1b8: {  	s18 =	smax.f32 s17, s15;
	s5 =	smul.f32 s5, s5  }
0x1b9: {  	s3 =	smul.f32 s3, s3;
	s21 =	ssub.f32 s29, s18  }
0x1ba: {  	s26 =	smov.u32 s15;
	s16 =	smul.f32 s5, s5;
	s5 =	simm.s32 @!p0 $0x0  }
0x1bb: {  	[dreg:$0xf] =	wrdreg s26;
	s23 =	smul.f32 $1.442695020e+00, s21;
	s5 =	simm.s32 @p0 $0x1  }
0x1bc: {  	[smem:$0x3F7E] =	sst s5;
	s5 =	smul.f32 $5.000000000e-01, s0  }
0x1bd: {  	s3 =	smul.f32 s3, s3;
	s2 =	sadd.f32 s16, s4  }
0x1be: {  	s4 =	smax.f32 s23, $-2.000000000e+01;
	s0 =	smov.u32 @p0 s5;
	s5 =	sadd.f32 $8.630792050e-02, s29  }
0x1bf: {  	s0 =	smul.f32 s0, s1;
	s1 =	sadd.f32 $-2.935305240e-01, s14  }
0x1c0: {  	s25 =	ssub.f32 s14, s18;
	s4 =	smul.f32 $6.250000000e-02, s4  }
0x1c1: {  	[dreg:$0xe] =	wrdreg s18;
	p0 =	sgt.f32 s1, s5  }
0x1c2: {  	s7 =	sadd.f32 $-3.364546600e-01, s15;
	s11 =	smul.f32 $9.883000170e-05, s4  }
0x1c3: {  	s10 =	smul.f32 $1.442695020e+00, s25;
	s2 =	sadd.f32 s2, s3;
	s5 =	smov.u32 @p0 s1  }
0x1c4: {  	s12 =	sadd.f32 $1.241820050e-03, s11;
	p1 =	sgt.f32 s7, s5  }
0x1c5: {  	s14 =	ssub.f32 s26, s18;
	s6 =	simm.s32 @!p0 $0x0;
	s1 =	smax.f32 s10, $-2.000000000e+01  }
0x1c6: {  	s3 =	smul.f32 s12, s4;
	s6 =	simm.s32 @p0 $0x1;
	s5 =	simm.s32 @!p1 $0x0  }
0x1c7: {  	s1 =	smul.f32 $6.250000000e-02, s1;
	[smem:$0x3F88] =	sst s6;
	s5 =	simm.s32 @p1 $0x1  }
0x1c8: {  	s6 =	smul.f32 $1.442695020e+00, s14;
	[smem:$0x3F87] =	sst s5;
	s5 =	simm.s32 $0x1  }
0x1c9: {  	s15 =	sadd.f32 $9.538849810e-03, s3;
	s5 =	simm.s32 @!p0 $0x0  }
0x1ca: {  	s13 =	smul.f32 $9.883000170e-05, s1;
	s16 =	smax.f32 s6, $-2.000000000e+01;
	s5 =	simm.s32 @p1 $0x2  }
0x1cb: {  	s3 =	smul.f32 $6.250000000e-02, s16;
	[smem:$0x96] =	sst s5  }
0x1cc: {  	p0 =	sge.f32 s0, $2.000000000e+00;
	s5 =	sadd.f32 $1.241820050e-03, s13  }
0x1cd: {  	s17 =	smul.f32 $9.883000170e-05, s3;
	s26 =	sld [smem:$0x25]  }
0x1ce: {  	s7 =	simm.s32 @!p0 $0x0;
	s10 =	sld [smem:$0x26]  }
0x1cf: {  	s7 =	simm.s32 @p0 $0x1;
	s18 =	sadd.f32 $1.241820050e-03, s17  }
0x1d0: {  	[smem:$0x3F80] =	sst s7;
	s7 =	smul.f32 $5.000000000e-01, s0  }
0x1d1: {  	s11 =	sld [smem:$0x27];
	s5 =	smul.f32 s5, s1  }
0x1d2: {  	s16 =	sld [smem:$0x28]  }
0x1d3: {  	s0 =	smov.u32 @p0 s7;
	s5 =	sadd.f32 $9.538849810e-03, s5;
	s7 =	smul.f32 s15, s4  }
0x1d4: {  	p0 =	sge.f32 s0, $2.000000000e+00;
	s8 =	sadd.f32 $7.165005210e-01, s26  }
0x1d5: {  	s9 =	sadd.f32 $3.554431800e-01, s10;
	s5 =	smul.f32 s5, s1  }
0x1d6: {  	s7 =	sadd.f32 $5.546754970e-02, s7;
	s6 =	simm.s32 @!p0 $0x0  }
0x1d7: {  	p2 =	sgt.f32 s9, s8;
	s6 =	simm.s32 @p0 $0x1;
	s21 =	sadd.f32 $5.546754970e-02, s5  }
0x1d8: {  	[smem:$0x3F82] =	sst s6;
	s6 =	smul.f32 $5.000000000e-01, s0  }
0x1d9: {  	s25 =	smul.f32 s7, s4;
	s7 =	sadd.f32 $5.471303460e-01, s11  }
0x1da: {  	s8 =	smov.u32 @p2 s9;
	s0 =	smov.u32 @p0 s6;
	s6 =	smul.f32 s18, s3  }
0x1db: {  	p1 =	sgt.f32 s7, s8;
	s0 =	smul.f32 s0, s2  }
0x1dc: {  	s9 =	sadd.f32 $7.361504430e-01, s16;
	s2 =	smul.f32 s21, s1  }
0x1dd: {  	s8 =	smov.u32 @p1 s7;
	s7 =	simm.s32 @!p1 $0x0;
	s23 =	sadd.f32 $9.538849810e-03, s6  }
0x1de: {  	s6 =	sadd.f32 $2.402180880e-01, s25;
	s7 =	simm.s32 @p1 $0x1;
	p0 =	sgt.f32 s9, s8  }
0x1df: {  	s8 =	simm.s32 $0x1;
	s2 =	sadd.f32 $2.402180880e-01, s2;
	s5 =	smul.f32 s23, s3  }
0x1e0: {  	[smem:$0x3F8C] =	sst s7;
	s8 =	simm.s32 @!p2 $0x0;
	s6 =	smul.f32 s6, s4  }
0x1e1: {  	s8 =	simm.s32 @p1 $0x2;
	s12 =	smul.f32 s2, s1;
	s5 =	sadd.f32 $5.546754970e-02, s5  }
0x1e2: {  	s2 =	simm.s32 @!p0 $0x0;
	s8 =	simm.s32 @p0 $0x3;
	s6 =	sadd.f32 $6.931464070e-01, s6  }
0x1e3: {  	s2 =	simm.s32 @p0 $0x1;
	[smem:$0x97] =	sst s8  }
0x1e4: {  	[smem:$0x3F8B] =	sst s2  }
0x1e5: {  	s13 =	sadd.f32 $6.931464070e-01, s12  }
0x1e6: {  	s14 =	smax.f32 s26, s10;
	s21 =	sld [smem:$0x29]  }
0x1e7: {  	s23 =	sld [smem:$0x2A];
	s5 =	smul.f32 s5, s3  }
0x1e8: {  	s2 =	smul.f32 s6, s4;
	s6 =	smax.f32 s14, s11  }
0x1e9: {  	s15 =	smax.f32 s6, s16;
	s5 =	sadd.f32 $2.402180880e-01, s5  }
0x1ea: {  	s17 =	ssub.f32 s26, s15  }
0x1eb: {  	s6 =	ssub.f32 s10, s15  }
0x1ec: {  	s2 =	sadd.f32 $1.000000000e+00, s2  }
0x1ed: {  	s1 =	smul.f32 s13, s1;
	s7 =	sadd.f32 $5.363999610e-01, s21  }
0x1ee: {  	s18 =	smov.u32 s15;
	s9 =	sadd.f32 $1.954488310e-01, s23;
	s5 =	smul.f32 s5, s3  }
0x1ef: {  	[dreg:$0x15] =	wrdreg s18;
	s4 =	smul.f32 $1.442695020e+00, s17  }
0x1f0: {  	s13 =	ssub.f32 s16, s18;
	s6 =	smul.f32 $1.442695020e+00, s6  }
0x1f1: {  	s1 =	sadd.f32 $1.000000000e+00, s1;
	s2 =	smul.f32 s2, s2  }
0x1f2: {  	s17 =	ssub.f32 s11, s18;
	s18 =	smul.f32 $1.442695020e+00, s13  }
0x1f3: {  	p0 =	sgt.f32 s9, s7;
	s1 =	smul.f32 s1, s1  }
0x1f4: {  	s4 =	smax.f32 s4, $-2.000000000e+01;
	s2 =	smul.f32 s2, s2  }
0x1f5: {  	s6 =	smax.f32 s6, $-2.000000000e+01;
	s4 =	smul.f32 $6.250000000e-02, s4  }
0x1f6: {  	[dreg:$0x11] =	wrdreg s10;
	s6 =	smul.f32 $6.250000000e-02, s6  }
0x1f7: {  	s5 =	sadd.f32 $6.931464070e-01, s5;
	s7 =	smov.u32 @p0 s9;
	s9 =	smul.f32 $1.442695020e+00, s17  }
0x1f8: {  	[dreg:$0x17] =	wrdreg s11;
	s1 =	smul.f32 s1, s1  }
0x1f9: {  	s25 =	sld [smem:$0x2B];
	s3 =	smul.f32 s5, s3  }
0x1fa: {  	[dreg:$0x16] =	wrdreg s16;
	s2 =	smul.f32 s2, s2  }
0x1fb: {  	s10 =	sld [smem:$0x2C];
	s12 =	smul.f32 $9.883000170e-05, s4  }
0x1fc: {  	[dreg:$0x12] =	wrdreg s8;
	s14 =	smul.f32 $9.883000170e-05, s6  }
0x1fd: {  	s11 =	smov.u32 s25;
	s9 =	smax.f32 s9, $-2.000000000e+01;
	s1 =	smul.f32 s1, s1  }
0x1fe: {  	[dreg:$0x1e] =	wrdreg s11;
	s9 =	smul.f32 $6.250000000e-02, s9  }
0x1ff: {  	[dreg:$0x1d] =	wrdreg s10;
	s2 =	smul.f32 s2, s2  }
0x200: {  	s3 =	sadd.f32 $1.000000000e+00, s3;
	s1 =	smul.f32 s1, s1  }
0x201: {  	s8 =	sadd.f32 $1.241820050e-03, s12;
	s16 =	smul.f32 $9.883000170e-05, s9  }
0x202: {  	s15 =	sadd.f32 $1.241820050e-03, s14;
	s3 =	smul.f32 s3, s3  }
0x203: {  	s12 =	sadd.f32 $-1.201124310e+00, s25;
	s8 =	smul.f32 s8, s4  }
0x204: {  	s25 =	sadd.f32 $1.060658810e+00, s10;
	s5 =	smul.f32 s15, s6  }
0x205: {  	p1 =	sgt.f32 s12, s7;
	s1 =	sadd.f32 s1, s2  }
0x206: {  	s3 =	smul.f32 s3, s3;
	s8 =	sadd.f32 $9.538849810e-03, s8  }
0x207: {  	s7 =	smov.u32 @p1 s12;
	s12 =	simm.s32 @!p1 $0x0;
	s5 =	sadd.f32 $9.538849810e-03, s5  }
0x208: {  	s12 =	simm.s32 @p1 $0x1;
	p2 =	sgt.f32 s25, s7;
	s3 =	smul.f32 s3, s3  }
0x209: {  	[smem:$0x3F8F] =	sst s12;
	s8 =	smul.f32 s8, s4  }
0x20a: {  	s12 =	smax.f32 s18, $-2.000000000e+01;
	s5 =	smul.f32 s5, s6  }
0x20b: {  	s25 =	simm.s32 $0x1;
	s14 =	smul.f32 $6.250000000e-02, s12;
	s12 =	sadd.f32 $1.241820050e-03, s16  }
0x20c: {  	s25 =	simm.s32 @!p0 $0x0;
	s7 =	simm.s32 @!p2 $0x0;
	s8 =	sadd.f32 $5.546754970e-02, s8  }
0x20d: {  	s25 =	simm.s32 @p1 $0x2;
	s7 =	simm.s32 @p2 $0x1;
	s5 =	sadd.f32 $5.546754970e-02, s5  }
0x20e: {  	s3 =	smul.f32 s3, s3;
	s25 =	simm.s32 @p2 $0x3;
	[smem:$0x3F8E] =	sst s7  }
0x20f: {  	[smem:$0x98] =	sst s25  }
0x210: {  	s17 =	smul.f32 $9.883000170e-05, s14;
	s1 =	sadd.f32 s1, s3  }
0x211: {  	s12 =	smul.f32 s12, s9;
	s15 =	sld [smem:$0x2E]  }
0x212: {  	s13 =	sadd.f32 $1.241820050e-03, s17  }
0x213: {  	s8 =	smul.f32 s8, s4;
	s12 =	sadd.f32 $9.538849810e-03, s12  }
0x214: {  	s5 =	smul.f32 s5, s6;
	s17 =	sld [smem:$0x30]  }
0x215: {  	s8 =	sadd.f32 $2.402180880e-01, s8;
	s13 =	smul.f32 s13, s14  }
0x216: {  	s5 =	sadd.f32 $2.402180880e-01, s5;
	s12 =	smul.f32 s12, s9  }
0x217: {  	s8 =	smul.f32 s8, s4;
	s13 =	sadd.f32 $9.538849810e-03, s13  }
0x218: {  	s5 =	smul.f32 s5, s6;
	s12 =	sadd.f32 $5.546754970e-02, s12  }
0x219: {  	s8 =	sadd.f32 $6.931464070e-01, s8;
	s13 =	smul.f32 s13, s14  }
0x21a: {  	s5 =	sadd.f32 $6.931464070e-01, s5;
	s12 =	smul.f32 s12, s9  }
0x21b: {  	s8 =	smul.f32 s8, s4;
	s13 =	sadd.f32 $5.546754970e-02, s13  }
0x21c: {  	s5 =	smul.f32 s5, s6;
	s18 =	sadd.f32 $2.402180880e-01, s12  }
0x21d: {  	s8 =	sadd.f32 $1.000000000e+00, s8;
	s13 =	smul.f32 s13, s14  }
0x21e: {  	s5 =	sadd.f32 $1.000000000e+00, s5;
	s4 =	smul.f32 s18, s9  }
0x21f: {  	s18 =	sld [smem:$0x2D];
	s8 =	smul.f32 s8, s8  }
0x220: {  	s5 =	smul.f32 s5, s5;
	s12 =	sadd.f32 $2.402180880e-01, s13  }
0x221: {  	[dreg:$0x1f] =	wrdreg s15;
	s8 =	smul.f32 s8, s8  }
0x222: {  	s4 =	sadd.f32 $6.931464070e-01, s4;
	s6 =	smul.f32 s12, s14  }
0x223: {  	s5 =	smul.f32 s5, s5;
	s7 =	sadd.f32 $-8.828948140e-01, s18  }
0x224: {  	s9 =	smul.f32 s4, s9;
	s6 =	sadd.f32 $6.931464070e-01, s6  }
0x225: {  	s12 =	sadd.f32 $1.069571020e+00, s15;
	s8 =	smul.f32 s8, s8  }
0x226: {  	s6 =	smul.f32 s6, s14;
	s14 =	sld [smem:$0x2F]  }
0x227: {  	[smem:$0x3F95] =	sst s17;
	s5 =	smul.f32 s5, s5  }
0x228: {  	p0 =	sgt.f32 s12, s7;
	s6 =	sadd.f32 $1.000000000e+00, s6  }
0x229: {  	s13 =	sadd.f32 $4.677705170e-01, s17;
	s8 =	smul.f32 s8, s8  }
0x22a: {  	s7 =	smov.u32 @p0 s12;
	s12 =	sadd.f32 $-4.037538470e-01, s14;
	s16 =	smul.f32 s6, s6  }
0x22b: {  	s9 =	sadd.f32 $1.000000000e+00, s9;
	s5 =	smul.f32 s5, s5  }
0x22c: {  	p1 =	sgt.f32 s12, s7;
	s3 =	smul.f32 s16, s16  }
0x22d: {  	p3 =	sge.f32 s0, $2.000000000e+00;
	s5 =	sadd.f32 s5, s8  }
0x22e: {  	s8 =	smov.u32 s23;
	s7 =	smov.u32 @p1 s12;
	s3 =	smul.f32 s3, s3  }
0x22f: {  	s4 =	simm.s32 @!p1 $0x0;
	p2 =	sgt.f32 s13, s7;
	s13 =	smul.f32 s9, s9  }
0x230: {  	[dreg:$0x1c] =	wrdreg s8;
	s4 =	simm.s32 @p1 $0x1;
	s7 =	smul.f32 $5.000000000e-01, s0  }
0x231: {  	[smem:$0x3F94] =	sst s4;
	s4 =	simm.s32 @!p2 $0x0;
	s2 =	smul.f32 s13, s13  }
0x232: {  	s3 =	smul.f32 s3, s3;
	s0 =	smov.u32 @p3 s7;
	s4 =	simm.s32 @p2 $0x1  }
0x233: {  	[smem:$0x3F93] =	sst s4;
	s4 =	simm.s32 @!p3 $0x0;
	s2 =	smul.f32 s2, s2  }
0x234: {  	s7 =	smul.f32 $5.000000000e-01, s0;
	s4 =	simm.s32 @p3 $0x1;
	p3 =	sge.f32 s0, $2.000000000e+00  }
0x235: {  	[smem:$0x3F92] =	sst s14;
	s2 =	smul.f32 s2, s2  }
0x236: {  	[smem:$0x3F85] =	sst s4;
	s4 =	simm.s32 @!p3 $0x0;
	s0 =	smov.u32 @p3 s7  }
0x237: {  	s4 =	simm.s32 @p3 $0x1;
	s0 =	smul.f32 s0, s1;
	s2 =	sadd.f32 s5, s2  }
0x238: {  	[smem:$0x3F86] =	sst s4;
	s4 =	smax.f32 s21, s23  }
0x239: {  	s23 =	simm.s32 $0x1;
	s6 =	smax.f32 s4, s11;
	s2 =	sadd.f32 s2, s3  }
0x23a: {  	s23 =	simm.s32 @!p0 $0x0;
	p0 =	sge.f32 s0, $2.000000000e+00;
	s9 =	smax.f32 s6, s10  }
0x23b: {  	s5 =	smul.f32 $5.000000000e-01, s0;
	s23 =	simm.s32 @p1 $0x2;
	s6 =	ssub.f32 s21, s9  }
0x23c: {  	s23 =	simm.s32 @p2 $0x3;
	[dreg:$0x1b] =	wrdreg s9  }
0x23d: {  	s3 =	simm.s32 @!p0 $0x0;
	s0 =	smov.u32 @p0 s5;
	s10 =	ssub.f32 s10, s9  }
0x23e: {  	[smem:$0x99] =	sst s23;
	s3 =	simm.s32 @p0 $0x1;
	p0 =	sge.f32 s0, $2.000000000e+00  }
0x23f: {  	s1 =	smul.f32 $1.442695020e+00, s6;
	[smem:$0x3F89] =	sst s3  }
0x240: {  	s13 =	sld [smem:$0x31];
	s6 =	smul.f32 $5.000000000e-01, s0;
	s3 =	simm.s32 @!p0 $0x0  }
0x241: {  	s12 =	sld [smem:$0x32];
	s3 =	simm.s32 @p0 $0x1  }
0x242: {  	s1 =	smax.f32 s1, $-2.000000000e+01;
	s0 =	smov.u32 @p0 s6;
	[smem:$0x3F8A] =	sst s3  }
0x243: {  	s4 =	smul.f32 s0, s2;
	s0 =	ssub.f32 s8, s9  }
0x244: {  	s1 =	smul.f32 $6.250000000e-02, s1;
	s3 =	ssub.f32 s11, s9  }
0x245: {  	s11 =	sld [smem:$0x33]  }
0x246: {  	s6 =	sadd.f32 $-1.467447640e+00, s12;
	s7 =	smul.f32 $9.883000170e-05, s1  }
0x247: {  	[smem:$0x3F97] =	sst s12  }
0x248: {  	s16 =	sadd.f32 $1.241820050e-03, s7  }
0x249: {  	s2 =	smul.f32 $1.442695020e+00, s0;
	s7 =	sadd.f32 $4.362367690e-01, s13  }
0x24a: {  	s8 =	smul.f32 $1.442695020e+00, s3;
	s9 =	sadd.f32 $6.469246150e-01, s11  }
0x24b: {  	s2 =	smax.f32 s2, $-2.000000000e+01;
	[smem:$0x3F98] =	sst s11  }
0x24c: {  	s2 =	smul.f32 $6.250000000e-02, s2;
	p5 =	sgt.f32 s6, s7  }
0x24d: {  	s5 =	smul.f32 s16, s1;
	s16 =	sld [smem:$0x34]  }
0x24e: {  	s3 =	smul.f32 $9.883000170e-05, s2;
	s7 =	smov.u32 @p5 s6;
	s6 =	smax.f32 s8, $-2.000000000e+01  }
0x24f: {  	s8 =	smul.f32 $1.442695020e+00, s10;
	s5 =	sadd.f32 $9.538849810e-03, s5  }
0x250: {  	s6 =	smul.f32 $6.250000000e-02, s6;
	p3 =	sgt.f32 s9, s7  }
0x251: {  	s0 =	sadd.f32 $1.241820050e-03, s3;
	s5 =	smul.f32 s5, s1  }
0x252: {  	s10 =	sadd.f32 $-4.253213110e-01, s16;
	s7 =	smov.u32 @p3 s9;
	s3 =	simm.s32 @!p3 $0x0  }
0x253: {  	s9 =	smul.f32 $9.883000170e-05, s6;
	s3 =	simm.s32 @p3 $0x1;
	s5 =	sadd.f32 $5.546754970e-02, s5  }
0x254: {  	p1 =	sgt.f32 s10, s7;
	[smem:$0x3F9A] =	sst s3  }
0x255: {  	s3 =	smul.f32 s0, s2;
	s9 =	sadd.f32 $1.241820050e-03, s9  }
0x256: {  	s8 =	smax.f32 s8, $-2.000000000e+01;
	s0 =	simm.s32 @!p1 $0x0;
	s5 =	smul.f32 s5, s1  }
0x257: {  	[smem:$0x3F9B] =	sst s16;
	s0 =	simm.s32 @p1 $0x1;
	s10 =	smul.f32 s9, s6  }
0x258: {  	[smem:$0x3F99] =	sst s0;
	s0 =	smul.f32 $6.250000000e-02, s8  }
0x259: {  	s5 =	sadd.f32 $2.402180880e-01, s5  }
0x25a: {  	s7 =	sadd.f32 $9.538849810e-03, s10;
	s8 =	smul.f32 $9.883000170e-05, s0  }
0x25b: {  	s3 =	sadd.f32 $9.538849810e-03, s3;
	s5 =	smul.f32 s5, s1  }
0x25c: {  	s7 =	smul.f32 s7, s6;
	s8 =	sadd.f32 $1.241820050e-03, s8  }
0x25d: {  	s3 =	smul.f32 s3, s2;
	s5 =	sadd.f32 $6.931464070e-01, s5  }
0x25e: {  	s7 =	sadd.f32 $5.546754970e-02, s7;
	s8 =	smul.f32 s8, s0  }
0x25f: {  	s3 =	sadd.f32 $5.546754970e-02, s3;
	s1 =	smul.f32 s5, s1  }
0x260: {  	s7 =	smul.f32 s7, s6;
	s8 =	sadd.f32 $9.538849810e-03, s8  }
0x261: {  	s3 =	smul.f32 s3, s2;
	s1 =	sadd.f32 $1.000000000e+00, s1  }
0x262: {  	s7 =	sadd.f32 $2.402180880e-01, s7;
	s8 =	smul.f32 s8, s0  }
0x263: {  	s3 =	sadd.f32 $2.402180880e-01, s3;
	s1 =	smul.f32 s1, s1  }
0x264: {  	s10 =	rddreg [dreg:$0x19];
	s7 =	smul.f32 s7, s6  }
0x265: {  	s3 =	smul.f32 s3, s2;
	s8 =	sadd.f32 $5.546754970e-02, s8  }
0x266: {  	s1 =	smul.f32 s1, s1;
	s7 =	sadd.f32 $6.931464070e-01, s7  }
0x267: {  	s3 =	sadd.f32 $6.931464070e-01, s3;
	s8 =	smul.f32 s8, s0  }
0x268: {  	s5 =	smul.f32 s7, s6;
	s7 =	sld [smem:$0x3F70]  }
0x269: {  	s2 =	smul.f32 s3, s2;
	s9 =	sadd.f32 $2.402180880e-01, s8  }
0x26a: {  	s8 =	sld [smem:$0x3F71]  }
0x26b: {  	s1 =	smul.f32 s1, s1;
	s2 =	sadd.f32 $1.000000000e+00, s2  }
0x26c: {  	s20 =	smov.u32 @p6 s24;
	s3 =	smul.f32 s9, s0;
	s9 =	sld [smem:$0x3F72]  }
0x26d: {  	s6 =	rddreg [dreg:$0x13];
	s2 =	smul.f32 s2, s2;
	p2 =	seq.s32 s7, $0x1  }
0x26e: {  	s7 =	sld [smem:$0x3F73];
	s31 =	smov.u32 @p2 s10;
	p0 =	seq.s32 s8, $0x1  }
0x26f: {  	s2 =	smul.f32 s2, s2;
	s3 =	sadd.f32 $6.931464070e-01, s3;
	s10 =	smov.u32 @p0 s31  }
0x270: {  	s31 =	simm.f32 $6.931471820e-01;
	p0 =	seq.s32 s9, $0x1;
	s9 =	sld [smem:$0x3F74]  }
0x271: {  	s8 =	sadd.f32 $1.000000000e+00, s5;
	s2 =	smul.f32 s2, s2;
	s31 =	simm.s32 @!p0 $0x0  }
0x272: {  	s0 =	smul.f32 s3, s0;
	s10 =	smov.u32 @p2 s6;
	s3 =	sadd.f32 $6.931471820e-01, s31  }
0x273: {  	s6 =	rddreg [dreg:$0x18];
	p0 =	seq.s32 s7, $0x1;
	s2 =	smul.f32 s2, s2  }
0x274: {  	s0 =	sadd.f32 $1.000000000e+00, s0;
	s31 =	smov.u32 @p0 s3;
	p0 =	seq.s32 s9, $0x1  }
0x275: {  	s3 =	smul.f32 s1, s1;
	s24 =	smov.u32 @p0 s20;
	s20 =	sld [smem:$0x3F75]  }
0x276: {  	s1 =	smul.f32 s8, s8;
	s8 =	sld [smem:$0x3F76]  }
0x277: {  	s7 =	smax.f32 s18, s15;
	s5 =	sadd.f32 $6.931471820e-01, s31  }
0x278: {  	s0 =	smul.f32 s0, s0;
	s2 =	sadd.f32 s2, s3  }
0x279: {  	s1 =	smul.f32 s1, s1;
	p0 =	seq.s32 s20, $0x1;
	s20 =	sld [smem:$0x3F77]  }
0x27a: {  	s31 =	smov.u32 @p0 s5;
	s5 =	smax.f32 s7, s14;
	s7 =	sld [smem:$0x3F78]  }
0x27b: {  	s1 =	smul.f32 s1, s1;
	p0 =	seq.s32 s8, $0x1;
	s8 =	sld [smem:$0x3F79]  }
0x27c: {  	s9 =	smax.f32 s5, s17;
	s5 =	sadd.f32 $6.931471820e-01, s31  }
0x27d: {  	s24 =	smov.u32 @p6 s6;
	s6 =	smul.f32 s1, s1;
	s1 =	ssub.f32 s18, s9  }
0x27e: {  	[smem:$0x3F96] =	sst s9  }
0x27f: {  	s0 =	smul.f32 s0, s0;
	p2 =	seq.s32 s20, $0x1;
	s20 =	ssub.f32 s15, s9  }
0x280: {  	p6 =	sge.f32 s4, $2.000000000e+00;
	s31 =	smov.u32 @p0 s5;
	s15 =	ssub.f32 s14, s9  }
0x281: {  	s19 =	smov.u32 @p2 s30;
	s1 =	smul.f32 $1.442695020e+00, s1;
	p0 =	seq.s32 s7, $0x1  }
0x282: {  	s0 =	smul.f32 s0, s0;
	s7 =	rddreg [dreg:$0xc];
	s30 =	smov.u32 @p0 s19  }
0x283: {  	s1 =	smax.f32 s1, $-2.000000000e+01;
	s30 =	smov.u32 @p2 s7;
	s7 =	smul.f32 $5.000000000e-01, s4  }
0x284: {  	s9 =	ssub.f32 s17, s9;
	s1 =	smul.f32 $6.250000000e-02, s1  }
0x285: {  	s0 =	smul.f32 s0, s0;
	s5 =	sadd.f32 $6.931471820e-01, s31;
	p0 =	seq.s32 s8, $0x1  }
0x286: {  	[smem:$0x3F81] =	sst s30;
	s4 =	smov.u32 @p6 s7;
	s19 =	smul.f32 $9.883000170e-05, s1  }
0x287: {  	s31 =	smov.u32 @p0 s5;
	s30 =	smul.f32 $1.442695020e+00, s20;
	p0 =	sge.f32 s4, $2.000000000e+00  }
0x288: {  	s20 =	smul.f32 $1.442695020e+00, s9;
	s5 =	sadd.f32 $1.241820050e-03, s19  }
0x289: {  	s2 =	sadd.f32 s2, s6;
	s7 =	simm.s32 @!p0 $0x0;
	s19 =	smul.f32 $1.442695020e+00, s15  }
0x28a: {  	s8 =	smax.f32 s30, $-2.000000000e+01;
	s7 =	simm.s32 @p0 $0x1;
	s3 =	smul.f32 s5, s1  }
0x28b: {  	[smem:$0x3F8D] =	sst s7;
	s7 =	smul.f32 $5.000000000e-01, s4  }
0x28c: {  	s6 =	smax.f32 s20, $-2.000000000e+01;
	s5 =	smul.f32 $6.250000000e-02, s8  }
0x28d: {  	s6 =	smul.f32 $6.250000000e-02, s6;
	s4 =	smov.u32 @p0 s7;
	s7 =	smax.f32 s19, $-2.000000000e+01  }
0x28e: {  	s30 =	smul.f32 $9.883000170e-05, s5;
	s3 =	sadd.f32 $9.538849810e-03, s3  }
0x28f: {  	s0 =	sadd.f32 s2, s0;
	s7 =	smul.f32 $6.250000000e-02, s7  }
0x290: {  	s19 =	sld [smem:$0x3F7A];
	s3 =	smul.f32 s3, s1  }
0x291: {  	s8 =	sadd.f32 $1.241820050e-03, s30;
	s9 =	smul.f32 $9.883000170e-05, s7  }
0x292: {  	s14 =	smul.f32 $9.883000170e-05, s6;
	s3 =	sadd.f32 $5.546754970e-02, s3  }
0x293: {  	s2 =	sadd.f32 $1.241820050e-03, s9  }
0x294: {  	s8 =	smul.f32 s8, s5;
	s9 =	sadd.f32 $1.241820050e-03, s14  }
0x295: {  	s14 =	sld [smem:$0x3F7D];
	s3 =	smul.f32 s3, s1  }
0x296: {  	s8 =	sadd.f32 $9.538849810e-03, s8;
	s2 =	smul.f32 s2, s7  }
0x297: {  	s9 =	smul.f32 s9, s6;
	s3 =	sadd.f32 $2.402180880e-01, s3  }
0x298: {  	s8 =	smul.f32 s8, s5;
	s2 =	sadd.f32 $9.538849810e-03, s2  }
0x299: {  	s9 =	sadd.f32 $9.538849810e-03, s9;
	s3 =	smul.f32 s3, s1  }
0x29a: {  	s8 =	sadd.f32 $5.546754970e-02, s8;
	s2 =	smul.f32 s2, s7  }
0x29b: {  	s9 =	smul.f32 s9, s6;
	s3 =	sadd.f32 $6.931464070e-01, s3  }
0x29c: {  	s8 =	smul.f32 s8, s5;
	s2 =	sadd.f32 $5.546754970e-02, s2  }
0x29d: {  	s9 =	sadd.f32 $5.546754970e-02, s9  }
0x29e: {  	s8 =	sadd.f32 $2.402180880e-01, s8;
	s1 =	smul.f32 s3, s1  }
0x29f: {  	s3 =	sadd.f32 $6.931471820e-01, s31;
	s2 =	smul.f32 s2, s7  }
0x2a0: {  	s9 =	smul.f32 s9, s6;
	s1 =	sadd.f32 $1.000000000e+00, s1  }
0x2a1: {  	s2 =	sadd.f32 $2.402180880e-01, s2  }
0x2a2: {  	s8 =	smul.f32 s8, s5;
	s17 =	sadd.f32 $2.402180880e-01, s9  }
0x2a3: {  	s9 =	sld [smem:$0x3F7C]  }
0x2a4: {  	s0 =	smul.f32 s4, s0;
	p0 =	seq.s32 s19, $0x1;
	s15 =	sadd.f32 $6.931464070e-01, s8  }
0x2a5: {  	s31 =	smov.u32 @p0 s3;
	s8 =	sld [smem:$0x3F7B];
	s2 =	smul.f32 s2, s7  }
0x2a6: {  	s4 =	smul.f32 s15, s5;
	s5 =	sadd.f32 $6.931471820e-01, s31  }
0x2a7: {  	s20 =	smul.f32 s17, s6;
	s15 =	sld [smem:$0x3F7E]  }
0x2a8: {  	s1 =	smul.f32 s1, s1;
	s2 =	sadd.f32 $6.931464070e-01, s2  }
0x2a9: {  	s3 =	sadd.f32 $6.931464070e-01, s20  }
0x2aa: {  	s1 =	smul.f32 s1, s1;
	p2 =	seq.s32 s9, $0x1;
	s9 =	rddreg [dreg:$0x4]  }
0x2ab: {  	s17 =	smax.f32 s13, s12;
	s4 =	sadd.f32 $1.000000000e+00, s4  }
0x2ac: {  	p0 =	seq.s32 s8, $0x1;
	s1 =	smul.f32 s1, s1;
	s8 =	sld [smem:$0x3F7F]  }
0x2ad: {  	s30 =	smov.u32 s28;
	s9 =	ssub.f32 s10, s9;
	s2 =	smul.f32 s2, s7  }
0x2ae: {  	s22 =	smov.u32 @p0 s28;
	s3 =	smul.f32 s3, s6;
	s6 =	rddreg [dreg:$0xb]  }
0x2af: {  	s28 =	rddreg [dreg:$0x10];
	s30 =	smov.u32 @p2 s22;
	s4 =	smul.f32 s4, s4  }
0x2b0: {  	s1 =	smul.f32 s1, s1;
	s30 =	smov.u32 @p0 s6;
	s2 =	sadd.f32 $1.000000000e+00, s2  }
0x2b1: {  	p0 =	seq.s32 s14, $0x1;
	s3 =	sadd.f32 $1.000000000e+00, s3;
	s4 =	smul.f32 s4, s4  }
0x2b2: {  	s7 =	rddreg [dreg:$0x1a];
	s31 =	smov.u32 @p0 s5;
	s2 =	smul.f32 s2, s2  }
0x2b3: {  	p0 =	seq.s32 s15, $0x1;
	s15 =	rddreg [dreg:$0x3];
	s3 =	smul.f32 s3, s3  }
0x2b4: {  	s5 =	sadd.f32 $6.931471820e-01, s31;
	s4 =	smul.f32 s4, s4  }
0x2b5: {  	s15 =	ssub.f32 s24, s15;
	s2 =	smul.f32 s2, s2  }
0x2b6: {  	s31 =	smov.u32 @p0 s5;
	s5 =	smax.f32 s17, s11;
	s3 =	smul.f32 s3, s3  }
0x2b7: {  	p0 =	seq.s32 s8, $0x1;
	s8 =	smul.f32 $5.000000000e-01, s0;
	s22 =	smax.f32 s5, s16  }
0x2b8: {  	s4 =	smul.f32 s4, s4;
	s20 =	ssub.f32 s13, s22  }
0x2b9: {  	s7 =	smov.u32 @p4 s28;
	s19 =	smul.f32 s2, s2;
	s2 =	rddreg [dreg:$0x14]  }
0x2ba: {  	s28 =	smov.u32 @p0 s7;
	p0 =	sge.f32 s0, $2.000000000e+00;
	s14 =	ssub.f32 s12, s22  }
0x2bb: {  	s3 =	smul.f32 s3, s3;
	s11 =	ssub.f32 s11, s22  }
0x2bc: {  	s24 =	ssub.f32 s16, s22;
	s6 =	smul.f32 $1.442695020e+00, s20  }
0x2bd: {  	s28 =	smov.u32 @p4 s2;
	s2 =	simm.s32 @!p0 $0x0;
	s7 =	smul.f32 s19, s19  }
0x2be: {  	s1 =	sadd.f32 s4, s1;
	s2 =	simm.s32 @p0 $0x1;
	s3 =	smul.f32 s3, s3  }
0x2bf: {  	s11 =	smul.f32 $1.442695020e+00, s11;
	[smem:$0x3F90] =	sst s2  }
0x2c0: {  	s2 =	smul.f32 $1.442695020e+00, s24;
	s10 =	smax.f32 s6, $-2.000000000e+01  }
0x2c1: {  	s6 =	smul.f32 $1.442695020e+00, s14;
	s1 =	sadd.f32 s1, s7  }
0x2c2: {  	s5 =	smul.f32 $6.250000000e-02, s10;
	s7 =	smax.f32 s2, $-2.000000000e+01  }
0x2c3: {  	s6 =	smax.f32 s6, $-2.000000000e+01;
	s7 =	smul.f32 $6.250000000e-02, s7  }
0x2c4: {  	s9 =	sadd.f32 $0.0e+00, s9;
	s4 =	smul.f32 $6.250000000e-02, s6  }
0x2c5: {  	s11 =	smax.f32 s11, $-2.000000000e+01;
	s17 =	smul.f32 $9.883000170e-05, s5  }
0x2c6: {  	s10 =	sadd.f32 s1, s3;
	s20 =	smul.f32 $9.883000170e-05, s4  }
0x2c7: {  	s19 =	sadd.f32 $1.241820050e-03, s17;
	s17 =	smul.f32 $9.883000170e-05, s7  }
0x2c8: {  	s0 =	smov.u32 @p0 s8;
	s14 =	smul.f32 $6.250000000e-02, s11;
	s8 =	sadd.f32 $1.241820050e-03, s20  }
0x2c9: {  	s6 =	smul.f32 s19, s5;
	s11 =	sadd.f32 $1.241820050e-03, s17  }
0x2ca: {  	s16 =	smul.f32 $9.883000170e-05, s14;
	s20 =	sld [smem:$0x3F80]  }
0x2cb: {  	s8 =	smul.f32 s8, s4;
	s12 =	sadd.f32 $9.538849810e-03, s6  }
0x2cc: {  	s6 =	sadd.f32 $1.241820050e-03, s16;
	s11 =	smul.f32 s11, s7  }
0x2cd: {  	s8 =	sadd.f32 $9.538849810e-03, s8;
	s1 =	smul.f32 s12, s5  }
0x2ce: {  	s6 =	smul.f32 s6, s14;
	s11 =	sadd.f32 $9.538849810e-03, s11  }
0x2cf: {  	s12 =	simm.s32 $0x1;
	s8 =	smul.f32 s8, s4;
	s1 =	sadd.f32 $5.546754970e-02, s1  }
0x2d0: {  	s12 =	simm.s32 @!p5 $0x0;
	s6 =	sadd.f32 $9.538849810e-03, s6;
	s11 =	smul.f32 s11, s7  }
0x2d1: {  	s24 =	smul.f32 $5.000000000e-01, s0;
	s12 =	simm.s32 @p3 $0x2;
	s8 =	sadd.f32 $5.546754970e-02, s8  }
0x2d2: {  	s12 =	simm.s32 @p1 $0x3;
	p1 =	sge.f32 s0, $2.000000000e+00;
	s11 =	sadd.f32 $5.546754970e-02, s11  }
0x2d3: {  	[smem:$0x9A] =	sst s12  }
0x2d4: {  	s1 =	smul.f32 s1, s5;
	s0 =	smov.u32 @p1 s24;
	s24 =	sld [smem:$0x36]  }
0x2d5: {  	s6 =	smul.f32 s6, s14;
	s17 =	sld [smem:$0x37]  }
0x2d6: {  	s3 =	simm.s32 @!p1 $0x0;
	s1 =	sadd.f32 $2.402180880e-01, s1  }
0x2d7: {  	s8 =	smul.f32 s8, s4;
	s6 =	sadd.f32 $5.546754970e-02, s6;
	s3 =	simm.s32 @p1 $0x1  }
0x2d8: {  	[smem:$0x3F91] =	sst s3;
	s1 =	smul.f32 s1, s5  }
0x2d9: {  	s11 =	smul.f32 s11, s7;
	s8 =	sadd.f32 $2.402180880e-01, s8  }
0x2da: {  	s19 =	sadd.f32 $6.931464070e-01, s1  }
0x2db: {  	s6 =	smul.f32 s6, s14;
	s1 =	sadd.f32 $2.402180880e-01, s11  }
0x2dc: {  	s10 =	smul.f32 s0, s10;
	s11 =	sadd.f32 $6.931471820e-01, s31  }
0x2dd: {  	p0 =	seq.s32 s20, $0x1;
	s8 =	smul.f32 s8, s4;
	s6 =	sadd.f32 $2.402180880e-01, s6  }
0x2de: {  	s31 =	smov.u32 @p0 s11;
	s11 =	sld [smem:$0x35];
	s16 =	smul.f32 s19, s5  }
0x2df: {  	s8 =	sadd.f32 $6.931464070e-01, s8;
	s6 =	smul.f32 s6, s14  }
0x2e0: {  	s19 =	sld [smem:$0x38];
	s1 =	smul.f32 s1, s7  }
0x2e1: {  	s20 =	smul.f32 s8, s4;
	s6 =	sadd.f32 $6.931464070e-01, s6  }
0x2e2: {  	s1 =	sadd.f32 $6.931464070e-01, s1;
	s0 =	smax.f32 s11, s24  }
0x2e3: {  	s6 =	smul.f32 s6, s14;
	s8 =	smax.f32 s0, s17  }
0x2e4: {  	s14 =	rddreg [dreg:$0x2];
	s5 =	smax.f32 s8, s19  }
0x2e5: {  	s8 =	smul.f32 s1, s7;
	s7 =	sadd.f32 s15, s9  }
0x2e6: {  	s15 =	sld [smem:$0x3F81]  }
0x2e7: {  	s6 =	sadd.f32 $1.000000000e+00, s6  }
0x2e8: {  	s2 =	ssub.f32 s11, s5  }
0x2e9: {  	s3 =	ssub.f32 s24, s5;
	s6 =	smul.f32 s6, s6  }
0x2ea: {  	s8 =	sadd.f32 $1.000000000e+00, s8;
	s4 =	smul.f32 $1.442695020e+00, s2  }
0x2eb: {  	s0 =	smul.f32 $1.442695020e+00, s3;
	s2 =	ssub.f32 s17, s5  }
0x2ec: {  	s3 =	ssub.f32 s19, s5;
	s6 =	smul.f32 s6, s6  }
0x2ed: {  	s1 =	ssub.f32 s15, s14;
	s8 =	smul.f32 s8, s8  }
0x2ee: {  	s9 =	smax.f32 s4, $-2.000000000e+01;
	s15 =	smul.f32 $1.442695020e+00, s2  }
0x2ef: {  	s0 =	smax.f32 s0, $-2.000000000e+01;
	s9 =	smul.f32 $6.250000000e-02, s9  }
0x2f0: {  	s0 =	smul.f32 $6.250000000e-02, s0  }
0x2f1: {  	s7 =	sadd.f32 s1, s7;
	s1 =	smul.f32 $1.442695020e+00, s3  }
0x2f2: {  	s16 =	sadd.f32 $1.000000000e+00, s16;
	s6 =	smul.f32 s6, s6  }
0x2f3: {  	s4 =	smax.f32 s15, $-2.000000000e+01;
	s15 =	rddreg [dreg:$0x5]  }
0x2f4: {  	s3 =	ssub.f32 s30, s15;
	s14 =	smul.f32 $6.250000000e-02, s4  }
0x2f5: {  	s1 =	smax.f32 s1, $-2.000000000e+01;
	s30 =	rddreg [dreg:$0x7]  }
0x2f6: {  	s4 =	smul.f32 $9.883000170e-05, s9;
	s30 =	ssub.f32 s28, s30  }
0x2f7: {  	s15 =	smul.f32 $9.883000170e-05, s0;
	s7 =	sadd.f32 s3, s7  }
0x2f8: {  	s3 =	sadd.f32 $1.241820050e-03, s4;
	s4 =	smul.f32 $9.883000170e-05, s14  }
0x2f9: {  	s1 =	smul.f32 $6.250000000e-02, s1;
	s15 =	sadd.f32 $1.241820050e-03, s15  }
0x2fa: {  	s8 =	smul.f32 s8, s8;
	s2 =	sadd.f32 $1.241820050e-03, s4  }
0x2fb: {  	s28 =	smul.f32 $9.883000170e-05, s1;
	s7 =	sadd.f32 s30, s7  }
0x2fc: {  	s6 =	smul.f32 s6, s6;
	s30 =	sld [smem:$0x3F86]  }
0x2fd: {  	s3 =	smul.f32 s3, s9;
	s4 =	sadd.f32 $1.241820050e-03, s28  }
0x2fe: {  	s15 =	smul.f32 s15, s0;
	s28 =	sadd.f32 $1.000000000e+00, s20  }
0x2ff: {  	s3 =	sadd.f32 $9.538849810e-03, s3;
	s2 =	smul.f32 s2, s14  }
0x300: {  	s15 =	sadd.f32 $9.538849810e-03, s15;
	s4 =	smul.f32 s4, s1  }
0x301: {  	s3 =	smul.f32 s3, s9;
	s2 =	sadd.f32 $9.538849810e-03, s2  }
0x302: {  	s15 =	smul.f32 s15, s0;
	s4 =	sadd.f32 $9.538849810e-03, s4  }
0x303: {  	s3 =	sadd.f32 $5.546754970e-02, s3;
	s2 =	smul.f32 s2, s14  }
0x304: {  	s15 =	sadd.f32 $5.546754970e-02, s15;
	s4 =	smul.f32 s4, s1  }
0x305: {  	s3 =	smul.f32 s3, s9;
	s2 =	sadd.f32 $5.546754970e-02, s2  }
0x306: {  	s15 =	smul.f32 s15, s0;
	s4 =	sadd.f32 $5.546754970e-02, s4  }
0x307: {  	s3 =	sadd.f32 $2.402180880e-01, s3;
	s2 =	smul.f32 s2, s14  }
0x308: {  	s15 =	sadd.f32 $2.402180880e-01, s15;
	s4 =	smul.f32 s4, s1  }
0x309: {  	s3 =	smul.f32 s3, s9;
	s2 =	sadd.f32 $2.402180880e-01, s2  }
0x30a: {  	s15 =	smul.f32 s15, s0;
	s4 =	sadd.f32 $2.402180880e-01, s4  }
0x30b: {  	s3 =	sadd.f32 $6.931464070e-01, s3;
	s2 =	smul.f32 s2, s14  }
0x30c: {  	s15 =	sadd.f32 $6.931464070e-01, s15;
	s4 =	smul.f32 s4, s1  }
0x30d: {  	s20 =	sld [smem:$0x3F83];
	s3 =	smul.f32 s3, s9  }
0x30e: {  	s2 =	sadd.f32 $6.931464070e-01, s2;
	s0 =	smul.f32 s15, s0  }
0x30f: {  	s9 =	smul.f32 s16, s16;
	s16 =	sld [smem:$0x3F82]  }
0x310: {  	s4 =	sadd.f32 $6.931464070e-01, s4;
	s2 =	smul.f32 s2, s14  }
0x311: {  	s15 =	rddreg [dreg:$0x9];
	s9 =	smul.f32 s9, s9  }
0x312: {  	s14 =	sadd.f32 $6.931471820e-01, s31;
	s1 =	smul.f32 s4, s1  }
0x313: {  	s3 =	sadd.f32 $1.000000000e+00, s3;
	s4 =	smul.f32 s28, s28  }
0x314: {  	s0 =	sadd.f32 $1.000000000e+00, s0;
	s9 =	smul.f32 s9, s9  }
0x315: {  	s28 =	sld [smem:$0x3F84];
	s3 =	smul.f32 s3, s3  }
0x316: {  	p0 =	seq.s32 s16, $0x1;
	s16 =	sld [smem:$0x3F87];
	s0 =	smul.f32 s0, s0  }
0x317: {  	s2 =	sadd.f32 $1.000000000e+00, s2;
	s4 =	smul.f32 s4, s4  }
0x318: {  	s31 =	smov.u32 @p0 s14;
	s14 =	rddreg [dreg:$0x8];
	s9 =	smul.f32 s9, s9  }
0x319: {  	p0 =	seq.s32 s20, $0x1;
	s20 =	rddreg [dreg:$0x6];
	s3 =	smul.f32 s3, s3  }
0x31a: {  	s1 =	sadd.f32 $1.000000000e+00, s1;
	s0 =	smul.f32 s0, s0  }
0x31b: {  	s15 =	smov.u32 @p0 s14;
	s2 =	smul.f32 s2, s2;
	p1 =	seq.s32 s28, $0x1  }
0x31c: {  	s4 =	smul.f32 s4, s4;
	s14 =	smov.u32 @p1 s15;
	s15 =	rddreg [dreg:$0xa]  }
0x31d: {  	s28 =	sld [smem:$0x3F85];
	s3 =	smul.f32 s3, s3;
	s14 =	smov.u32 @p0 s15  }
0x31e: {  	s0 =	smul.f32 s0, s0;
	s15 =	smov.u32 s14;
	s14 =	sadd.f32 $6.931471820e-01, s31  }
0x31f: {  	s2 =	smul.f32 s2, s2;
	s15 =	ssub.f32 s15, s20  }
0x320: {  	s4 =	smul.f32 s4, s4;
	s20 =	sld [smem:$0x3F88]  }
0x321: {  	s3 =	smul.f32 s3, s3;
	p0 =	seq.s32 s28, $0x1;
	s28 =	rddreg [dreg:$0xe]  }
0x322: {  	s0 =	smul.f32 s0, s0;
	s4 =	sadd.f32 s4, s9  }
0x323: {  	s31 =	smov.u32 @p0 s14;
	p0 =	seq.s32 s30, $0x1;
	s30 =	sld [smem:$0x3F89]  }
0x324: {  	s2 =	smul.f32 s2, s2;
	s0 =	sadd.f32 s0, s3  }
0x325: {  	s8 =	smul.f32 s8, s8;
	s7 =	sadd.f32 s15, s7  }
0x326: {  	s2 =	smul.f32 s2, s2;
	s14 =	sadd.f32 $6.931471820e-01, s31  }
0x327: {  	s1 =	smul.f32 s1, s1;
	s4 =	sadd.f32 s4, s6  }
0x328: {  	s8 =	smul.f32 s8, s8;
	s0 =	sadd.f32 s0, s2  }
0x329: {  	s1 =	smul.f32 s1, s1;
	s31 =	smov.u32 @p0 s14;
	s14 =	rddreg [dreg:$0xd]  }
0x32a: {  	s4 =	sadd.f32 s4, s8  }
0x32b: {  	s1 =	smul.f32 s1, s1;
	p0 =	seq.s32 s16, $0x1;
	s16 =	rddreg [dreg:$0x15]  }
0x32c: {  	p1 =	seq.s32 s20, $0x1;
	s20 =	sld [smem:$0x3F8D]  }
0x32d: {  	s1 =	smul.f32 s1, s1;
	s14 =	smov.u32 @p0 s29;
	s15 =	sadd.f32 $6.931471820e-01, s31  }
0x32e: {  	s9 =	smul.f32 $5.000000000e-01, s10;
	s29 =	smov.u32 @p1 s14;
	s14 =	rddreg [dreg:$0xf]  }
0x32f: {  	s0 =	sadd.f32 s0, s1;
	p1 =	sge.f32 s10, $2.000000000e+00;
	s29 =	smov.u32 @p0 s14  }
0x330: {  	s14 =	ssub.f32 s29, s28  }
0x331: {  	p0 =	seq.s32 s30, $0x1;
	s10 =	smov.u32 @p1 s9;
	s9 =	rddreg [dreg:$0x12]  }
0x332: {  	s31 =	smov.u32 @p0 s15;
	s15 =	sld [smem:$0x3F8C]  }
0x333: {  	s28 =	sld [smem:$0x3F90]  }
0x334: {  	s29 =	sld [smem:$0x3F91]  }
0x335: {  	p2 =	sge.f32 s10, $2.000000000e+00;
	s6 =	smul.f32 $5.000000000e-01, s10  }
0x336: {  	s7 =	sadd.f32 s14, s7  }
0x337: {  	s14 =	sld [smem:$0x3F8B];
	s10 =	smov.u32 @p2 s6  }
0x338: {  	s3 =	smul.f32 s10, s4;
	s10 =	sld [smem:$0x3F8A]  }
0x339: {  	s2 =	sadd.f32 $6.931471820e-01, s31  }
0x33a: {  	p3 =	seq.s32 s9, $0x1;
	s9 =	sld [smem:$0x3F93];
	p4 =	sge.f32 s3, $2.000000000e+00  }
0x33b: {  	s6 =	rddreg [dreg:$0x1f];
	p5 =	seq.s32 s14, $0x1  }
0x33c: {  	s14 =	sld [smem:$0x3F94];
	s4 =	simm.s32 @!p4 $0x0;
	p0 =	seq.s32 s10, $0x1  }
0x33d: {  	s4 =	simm.s32 @p4 $0x1;
	s31 =	smov.u32 @p0 s2;
	s2 =	rddreg [dreg:$0x11]  }
0x33e: {  	[smem:$0x3F9C] =	sst s4  }
0x33f: {  	s4 =	smul.f32 $5.000000000e-01, s3;
	s26 =	smov.u32 @p3 s2;
	s2 =	sadd.f32 $6.931471820e-01, s31  }
0x340: {  	p0 =	seq.s32 s20, $0x1;
	s20 =	sld [smem:$0x3F9C]  }
0x341: {  	s3 =	smov.u32 @p4 s4;
	s4 =	rddreg [dreg:$0x17]  }
0x342: {  	p4 =	seq.s32 s15, $0x1;
	s15 =	sld [smem:$0x3F96]  }
0x343: {  	p3 =	sge.f32 s3, $2.000000000e+00;
	s1 =	smul.f32 $5.000000000e-01, s3;
	s4 =	smov.u32 @p5 s26  }
0x344: {  	s26 =	smov.u32 @p4 s4;
	p4 =	seq.s32 s25, $0x1;
	s25 =	sld [smem:$0x3F8E]  }
0x345: {  	s31 =	smov.u32 @p6 s2;
	s3 =	smov.u32 @p3 s1;
	s1 =	rddreg [dreg:$0x16]  }
0x346: {  	s0 =	smul.f32 s3, s0;
	s26 =	smov.u32 @p5 s1;
	s1 =	sadd.f32 $6.931471820e-01, s31  }
0x347: {  	s3 =	ssub.f32 s26, s16  }
0x348: {  	s26 =	sld [smem:$0x3F8F];
	p5 =	sge.f32 s0, $2.000000000e+00  }
0x349: {  	s2 =	smul.f32 $5.000000000e-01, s0;
	s31 =	smov.u32 @p0 s1;
	s1 =	rddreg [dreg:$0x1c]  }
0x34a: {  	s4 =	rddreg [dreg:$0x1e];
	p0 =	seq.s32 s25, $0x1;
	s21 =	smov.u32 @p4 s1  }
0x34b: {  	s1 =	sadd.f32 $6.931471820e-01, s31;
	s0 =	smov.u32 @p5 s2;
	s4 =	smov.u32 @p0 s21  }
0x34c: {  	p4 =	sge.f32 s0, $2.000000000e+00;
	s2 =	smul.f32 $5.000000000e-01, s0;
	p6 =	seq.s32 s26, $0x1  }
0x34d: {  	s16 =	sld [smem:$0x3F99];
	s21 =	smov.u32 @p6 s4;
	p6 =	seq.s32 s28, $0x1  }
0x34e: {  	s31 =	smov.u32 @p6 s1;
	s0 =	smov.u32 @p4 s2;
	s2 =	rddreg [dreg:$0x1d]  }
0x34f: {  	s1 =	sadd.f32 $6.931471820e-01, s31  }
0x350: {  	s0 =	sadd.f32 $-1.000000000e+00, s0  }
0x351: {  	s30 =	sadd.f32 s3, s7;
	s21 =	smov.u32 @p0 s2;
	p0 =	seq.s32 s29, $0x1  }
0x352: {  	s7 =	rddreg [dreg:$0x1b];
	s31 =	smov.u32 @p0 s1;
	s8 =	smul.f32 $-6.074879780e-03, s0  }
0x353: {  	s4 =	sadd.f32 $6.931471820e-01, s31  }
0x354: {  	s3 =	sadd.f32 $3.441859040e-02, s8  }
0x355: {  	s31 =	smov.u32 @p1 s4;
	s4 =	sld [smem:$0x3F92]  }
0x356: {  	p6 =	seq.s32 s23, $0x1;
	s2 =	ssub.f32 s21, s7  }
0x357: {  	s18 =	smov.u32 @p6 s6;
	s6 =	sld [smem:$0x3F97];
	s10 =	smul.f32 s3, s0  }
0x358: {  	p0 =	seq.s32 s9, $0x1;
	s1 =	sadd.f32 s2, s30  }
0x359: {  	p1 =	seq.s32 s14, $0x1;
	s2 =	sadd.f32 $-9.231376640e-02, s10;
	s4 =	smov.u32 @p0 s18  }
0x35a: {  	s18 =	smov.u32 @p1 s4;
	s4 =	sld [smem:$0x3F95]  }
0x35b: {  	s7 =	sld [smem:$0x3F98]  }
0x35c: {  	s8 =	sld [smem:$0x3F9B];
	s2 =	smul.f32 s2, s0  }
0x35d: {  	s3 =	sadd.f32 $6.931471820e-01, s31  }
0x35e: {  	s2 =	sadd.f32 $1.647834930e-01, s2;
	s18 =	smov.u32 @p0 s4  }
0x35f: {  	s4 =	ssub.f32 s18, s15  }
0x360: {  	s2 =	smul.f32 s2, s0;
	s18 =	sld [smem:$0x3F9A]  }
0x361: {  	s31 =	smov.u32 @p2 s3;
	s3 =	sadd.f32 $4.180805390e-01, s11  }
0x362: {  	p0 =	seq.s32 s12, $0x1;
	s2 =	sadd.f32 $-2.391907130e-01, s2  }
0x363: {  	s13 =	smov.u32 @p0 s6;
	s6 =	sadd.f32 $3.768413070e+00, s24;
	p0 =	seq.s32 s16, $0x1  }
0x364: {  	s7 =	smov.u32 @p0 s13;
	s2 =	smul.f32 s2, s0;
	p1 =	seq.s32 s18, $0x1  }
0x365: {  	s13 =	smov.u32 @p1 s7;
	s7 =	sadd.f32 $6.931471820e-01, s31  }
0x366: {  	p1 =	sgt.f32 s6, s3;
	s2 =	sadd.f32 $3.313340250e-01, s2  }
0x367: {  	s13 =	smov.u32 @p0 s8;
	s8 =	sadd.f32 $-3.764842750e-01, s17  }
0x368: {  	s21 =	sadd.f32 $7.720329760e-01, s19;
	p0 =	seq.s32 s20, $0x1;
	s3 =	smov.u32 @p1 s6  }
0x369: {  	s31 =	smov.u32 @p0 s7;
	s2 =	smul.f32 s2, s0;
	p0 =	sgt.f32 s8, s3  }
0x36a: {  	s1 =	sadd.f32 s4, s1  }
0x36b: {  	s4 =	simm.s32 $0x1;
	s2 =	sadd.f32 $-4.998011590e-01, s2;
	s3 =	smov.u32 @p0 s8  }
0x36c: {  	s4 =	simm.s32 @!p1 $0x0;
	p1 =	sgt.f32 s21, s3  }
0x36d: {  	s3 =	sadd.f32 $6.931471820e-01, s31;
	s2 =	smul.f32 s2, s0  }
0x36e: {  	s22 =	ssub.f32 s13, s22;
	s4 =	simm.s32 @p0 $0x2  }
0x36f: {  	s4 =	simm.s32 @p1 $0x3;
	s31 =	smov.u32 @p3 s3;
	s2 =	sadd.f32 $9.999914760e-01, s2  }
0x370: {  	p2 =	seq.s32 s4, $0x1;
	s3 =	sadd.f32 $6.931471820e-01, s31  }
0x371: {  	s1 =	sadd.f32 s22, s1;
	s11 =	smov.u32 @p2 s24  }
0x372: {  	s0 =	smul.f32 s2, s0;
	s17 =	smov.u32 @p1 s11;
	s31 =	smov.u32 @p5 s3  }
0x373: {  	s11 =	smov.u32 @p0 s17;
	s2 =	sadd.f32 $6.931471820e-01, s31  }
0x374: {  	s0 =	sadd.f32 $9.083787230e-08, s0;
	s11 =	smov.u32 @p1 s19  }
0x375: {  	s5 =	ssub.f32 s11, s5;
	s31 =	smov.u32 @p4 s2  }
0x376: {  	s0 =	sadd.f32 s0, s31  }
0x377: {  	s1 =	sadd.f32 s5, s1  }
0x378: {  	[smem:$0x9B] =	sst s4  }
0x379: {  	s0 =	ssub.f32 s1, s0  }
0x37a: {  	s24 =	rddreg [dreg:$0x0]  }
0x37b: {  	s25 =	simm.s32 $0x9;
	s23 =	simm.s32 $0x90;
	[smem:$0x110] =	sst s0  }
0x37c: {  	[hbm:s24], [sflag:s25] =	dma.local [smem:s23], $0x10  }
0x37d: {  	s26 =	simm.s32 $0x110;
	s1 =	rddreg [dreg:$0x1]  }
0x37e: {  	[hbm:s1], [sflag:s25] =	dma.local [smem:s26], $0x10  }
0x37f: {  	_ =	swait.ge [sflag:s25], $0x10  }
0x380: {  	[sflag:s25] =	ssyncset.done $0x0  }
0x381: {  	[sflag:s25] =	ssyncadd.s32 $0xFFFFFFF0;
	_ =	sdelay $0x2  }
0x382: {  	_ =	swait.ge [sflag:s25], $0x10  }
0x383: {  	[sflag:s25] =	ssyncset.done $0x0  }
0x384: {  	[sflag:s25] =	ssyncadd.s32 $0xFFFFFFF0  }
0x385: {  	_ =	strace $0x90000046  }
0x386: {  	_ =	sfence  }
0x387: {  	s28 =	sld [smem:$0x0];
	_ =	sdelay $0x1  }
0x388: {  	s29 =	srdreg.scid  }
0x389: {  	s30 =	sshll.u32 s29, $0xD;
	s31 =	sshrl.u32 s29, $0x2  }
0x38a: {  	s2 =	sand.u32 $0x4000, s30;
	s1 =	sand.u32 $0x1, s29;
	s0 =	sadd.s32 s31, s28  }
0x38b: {  	s1 =	sor.u32 s2, s1;
	s0 =	sshll.u32 s0, $0x11  }
0x38c: {  	s0 =	sor.u32 s0, s1  }
0x38d: {  	s0 =	sadd.s32 $0x8F2B, s0;
	(pc) =	sbr.abs _section_cstart, $3  }
0x38e: {  	[sflag:s0] =	ssyncadd.remote.s32 $0x1  }
0x38f: {  	_ =	strace $0x9FFFFFFF  }
0x390: {  	(tm) =	ssettm $0x7FFFFFFF  }
0x391: {  	_ =	shalt  }

</sc_bundles>
